<compile_context>
chip_gen: v7x
topology: tpu7x:2x2x1
jax: 0.10.2.dev20260603
libtpu: 0.0.44.dev20260713+nightly
codegen_flags: <defaults>
</compile_context>

<pallas_src>
import functools

import jax
import jax.numpy as jnp
from jax import lax
from jax.experimental import pallas as pl
from jax.experimental.pallas import tpu as pltpu
from jax.experimental.pallas import tpu_sc as plsc

MAX_SEQ = 8192
EMB_W = 1024

_NC = 2
_NS = 16
_NW = _NC * _NS

_B_PER_W = MAX_SEQ // _NW
_CHUNK = 16
_N_CHUNKS = _B_PER_W // _CHUNK
_NBUF = 6


def _gather_body(table_hbm, idx_hbm, out_hbm, idx_v, *scratch):
    bufs = scratch[:_NBUF]
    gsems = scratch[_NBUF:2 * _NBUF]
    ssems = scratch[2 * _NBUF:3 * _NBUF]

    wid = lax.axis_index("s") * _NC + lax.axis_index("c")
    base = wid * _B_PER_W
    pltpu.sync_copy(idx_hbm.at[wid], idx_v)

    gp = [None] * _NBUF
    sp = [None] * _NBUF
    for i in range(min(_NBUF, _N_CHUNKS)):
        gp[i] = pltpu.async_copy(table_hbm.at[idx_v.at[i]], bufs[i], gsems[i])
    for i in range(_N_CHUNKS):
        b = i % _NBUF
        gp[b].wait()
        sp[b] = pltpu.async_copy(
            bufs[b], out_hbm.at[pl.ds(base + i * _CHUNK, _CHUNK)], ssems[b]
        )
        j = i + _NBUF
        if j < _N_CHUNKS:
            sp[b].wait()
            gp[b] = pltpu.async_copy(
                table_hbm.at[idx_v.at[j]], bufs[b], gsems[b]
            )
    for b in range(_NBUF):
        if sp[b] is not None:
            sp[b].wait()


@jax.jit
def _gather(inputs, embeddings):
    mesh = plsc.VectorSubcoreMesh(core_axis_name="c", subcore_axis_name="s")
    run = functools.partial(
        pl.kernel,
        mesh=mesh,
        out_type=jax.ShapeDtypeStruct((MAX_SEQ, EMB_W), jnp.float32),
        scratch_types=[pltpu.VMEM((_N_CHUNKS, _CHUNK), jnp.int32)]
        + [pltpu.VMEM((_CHUNK, EMB_W), jnp.float32) for _ in range(_NBUF)]
        + [pltpu.SemaphoreType.DMA for _ in range(2 * _NBUF)],
    )(_gather_body)
    return run(embeddings, inputs)


def kernel(inputs, embeddings):
    idx = inputs.astype(jnp.int32).reshape(_NW, _N_CHUNKS, _CHUNK)
    out = _gather(idx, embeddings)
    return jnp.expand_dims(out, 0)

# --- scband reference (transcript-rebuilt; emitter-appended) ---
"""Pipeline reference for scband-position-embedding-73383811219503 (READ-ONLY COPY).

The authoritative reference and input builder live on the scoring server;
editing this copy changes nothing except your own understanding.
"""

import jax, jax.numpy as jnp
import numpy as np

MAX_SEQ = 8192
EMB_W = 1024

def setup_inputs(seed: int = 0) -> dict:
    key = jax.random.key(seed)
    k1, _ = jax.random.split(key)
    inputs = jnp.arange(MAX_SEQ, dtype=jnp.int64 if jax.config.jax_enable_x64 else jnp.int32)
    embeddings = jax.random.normal(k1, (MAX_SEQ, EMB_W), dtype=jnp.float32) * 0.02
    return {"inputs": inputs, "embeddings": embeddings}

def reference(inputs, embeddings):
    # tf.gather(embeddings, inputs) then expand_dims(0)
    position_embeddings = jnp.take(embeddings, inputs, axis=0)
    position_embeddings = jnp.expand_dims(position_embeddings, 0)
    return position_embeddings

if __name__ == "__main__":
    import jax
    _d = setup_inputs()
    print(jax.jit(kernel)(*tuple(_d.values())))

</pallas_src>

<mosaic_0001>
#map = affine_map<(d0, d1) -> (0, 0)>
#map1 = affine_map<(d0, d1) -> (0, 0, 0)>
module attributes {stable_mosaic.version = 14 : i64} {
  func.func @_gather_body(%arg0: i32, %arg1: i32, %arg2: memref<8192x1024xf32, #tpu.memory_space<hbm>>, %arg3: memref<32x16x16xi32, #tpu.memory_space<hbm>>, %arg4: memref<8192x1024xf32, #tpu.memory_space<hbm>>, %arg5: memref<16x16xi32, #tpu.memory_space<vmem>>, %arg6: memref<16x1024xf32, #tpu.memory_space<vmem>>, %arg7: memref<16x1024xf32, #tpu.memory_space<vmem>>, %arg8: memref<16x1024xf32, #tpu.memory_space<vmem>>, %arg9: memref<16x1024xf32, #tpu.memory_space<vmem>>, %arg10: memref<16x1024xf32, #tpu.memory_space<vmem>>, %arg11: memref<16x1024xf32, #tpu.memory_space<vmem>>, %arg12: memref<!tpu.dma_semaphore, #tpu.memory_space<semaphore_mem>>, %arg13: memref<!tpu.dma_semaphore, #tpu.memory_space<semaphore_mem>>, %arg14: memref<!tpu.dma_semaphore, #tpu.memory_space<semaphore_mem>>, %arg15: memref<!tpu.dma_semaphore, #tpu.memory_space<semaphore_mem>>, %arg16: memref<!tpu.dma_semaphore, #tpu.memory_space<semaphore_mem>>, %arg17: memref<!tpu.dma_semaphore, #tpu.memory_space<semaphore_mem>>, %arg18: memref<!tpu.dma_semaphore, #tpu.memory_space<semaphore_mem>>, %arg19: memref<!tpu.dma_semaphore, #tpu.memory_space<semaphore_mem>>, %arg20: memref<!tpu.dma_semaphore, #tpu.memory_space<semaphore_mem>>, %arg21: memref<!tpu.dma_semaphore, #tpu.memory_space<semaphore_mem>>, %arg22: memref<!tpu.dma_semaphore, #tpu.memory_space<semaphore_mem>>, %arg23: memref<!tpu.dma_semaphore, #tpu.memory_space<semaphore_mem>>) attributes {dimension_semantics = [#tpu.dimension_semantics<core_parallel>, #tpu.dimension_semantics<subcore_parallel>], iteration_bounds = array<i64: 2, 16>, scalar_prefetch = 0 : i64, scratch_operands = 19 : i64, tpu.core_type = #tpu.core_type<sc_vector_subcore>, window_params = [{transform_indices = #map}, {transform_indices = #map1}, {transform_indices = #map}]} {
    %mul3A = arith.constant 2 : i32
    %mul3A_0 = arith.muli %arg1, %mul3A : i32
    %add3A = arith.addi %mul3A_0, %arg0 : i32
    %mul3A_1 = arith.constant 256 : i32
    %mul3A_2 = arith.muli %add3A, %mul3A_1 : i32
    "tpu.region"() ({
      %run_scoped3A = tpu.sem_alloc : memref<!tpu.dma_semaphore, #tpu.memory_space<semaphore_mem>>
      %dma_start3A_385 = arith.constant 0 : i32
      %dma_start3A_386 = arith.constant 0 : i32
      %dma_start3A_387 = tpu.memref_slice %arg3[%add3A, %dma_start3A_385, %dma_start3A_386] : memref<32x16x16xi32, #tpu.memory_space<hbm>> -> memref<1x16x16xi32, #tpu.memory_space<hbm>>
      %dma_start3A_388 = tpu.memref_squeeze %dma_start3A_387 : memref<1x16x16xi32, #tpu.memory_space<hbm>> -> memref<16x16xi32, #tpu.memory_space<hbm>>
      %dma_start3A_389 = arith.constant 0 : i32
      %dma_start3A_390 = arith.constant 0 : i32
      %dma_start3A_391 = tpu.memref_slice %arg3[%add3A, %dma_start3A_389, %dma_start3A_390] : memref<32x16x16xi32, #tpu.memory_space<hbm>> -> memref<1x16x16xi32, #tpu.memory_space<hbm>>
      %dma_start3A_392 = tpu.memref_squeeze %dma_start3A_391 : memref<1x16x16xi32, #tpu.memory_space<hbm>> -> memref<16x16xi32, #tpu.memory_space<hbm>>
      tpu.enqueue_dma source(%dma_start3A_392 : memref<16x16xi32, #tpu.memory_space<hbm>>) target(%arg5 : memref<16x16xi32, #tpu.memory_space<vmem>>) target_semaphore(%run_scoped3A : memref<!tpu.dma_semaphore, #tpu.memory_space<semaphore_mem>>)
      %dma_wait3A_393 = arith.constant 0 : i32
      %dma_wait3A_394 = arith.constant 0 : i32
      %dma_wait3A_395 = tpu.memref_slice %arg3[%add3A, %dma_wait3A_393, %dma_wait3A_394] : memref<32x16x16xi32, #tpu.memory_space<hbm>> -> memref<1x16x16xi32, #tpu.memory_space<hbm>>
      %dma_wait3A_396 = tpu.memref_squeeze %dma_wait3A_395 : memref<1x16x16xi32, #tpu.memory_space<hbm>> -> memref<16x16xi32, #tpu.memory_space<hbm>>
      %dma_wait3A_397 = arith.constant 0 : i32
      %dma_wait3A_398 = arith.constant 0 : i32
      %dma_wait3A_399 = tpu.memref_slice %arg3[%add3A, %dma_wait3A_397, %dma_wait3A_398] : memref<32x16x16xi32, #tpu.memory_space<hbm>> -> memref<1x16x16xi32, #tpu.memory_space<hbm>>
      %dma_wait3A_400 = tpu.memref_squeeze %dma_wait3A_399 : memref<1x16x16xi32, #tpu.memory_space<hbm>> -> memref<16x16xi32, #tpu.memory_space<hbm>>
      tpu.wait_dma2 semaphore(%run_scoped3A : memref<!tpu.dma_semaphore, #tpu.memory_space<semaphore_mem>>) src(%dma_wait3A_400 : memref<16x16xi32, #tpu.memory_space<hbm>>) dst(%arg5 : memref<16x16xi32, #tpu.memory_space<vmem>>)
      tpu.yield
    }) : () -> ()
    %dma_start3A = arith.constant 0 : i32
    %dma_start3A_3 = arith.constant 0 : i32
    %dma_start3A_4 = tpu.memref_slice %arg5[%dma_start3A, %dma_start3A_3] : memref<16x16xi32, #tpu.memory_space<vmem>> -> memref<1x16xi32, #tpu.memory_space<vmem>>
    %dma_start3A_5 = tpu.memref_squeeze %dma_start3A_4 : memref<1x16xi32, #tpu.memory_space<vmem>> -> memref<16xi32, #tpu.memory_space<vmem>>
    %dma_start3A_6 = arith.constant 0 : i32
    %dma_start3A_7 = arith.constant 0 : i32
    %dma_start3A_8 = tpu.memref_slice %arg2[%dma_start3A_6, %dma_start3A_7] : memref<8192x1024xf32, #tpu.memory_space<hbm>> -> memref<8192x1024xf32, #tpu.memory_space<hbm>>
    tpu.enqueue_indirect_dma source(%dma_start3A_8 : memref<8192x1024xf32, #tpu.memory_space<hbm>>) target(%arg6 : memref<16x1024xf32, #tpu.memory_space<vmem>>) offsets(%dma_start3A_5 : memref<16xi32, #tpu.memory_space<vmem>>) semaphore(%arg12 : memref<!tpu.dma_semaphore, #tpu.memory_space<semaphore_mem>>)
    %dma_start3A_9 = arith.constant 1 : i32
    %dma_start3A_10 = arith.constant 0 : i32
    %dma_start3A_11 = tpu.memref_slice %arg5[%dma_start3A_9, %dma_start3A_10] : memref<16x16xi32, #tpu.memory_space<vmem>> -> memref<1x16xi32, #tpu.memory_space<vmem>>
    %dma_start3A_12 = tpu.memref_squeeze %dma_start3A_11 : memref<1x16xi32, #tpu.memory_space<vmem>> -> memref<16xi32, #tpu.memory_space<vmem>>
    %dma_start3A_13 = arith.constant 0 : i32
    %dma_start3A_14 = arith.constant 0 : i32
    %dma_start3A_15 = tpu.memref_slice %arg2[%dma_start3A_13, %dma_start3A_14] : memref<8192x1024xf32, #tpu.memory_space<hbm>> -> memref<8192x1024xf32, #tpu.memory_space<hbm>>
    tpu.enqueue_indirect_dma source(%dma_start3A_15 : memref<8192x1024xf32, #tpu.memory_space<hbm>>) target(%arg7 : memref<16x1024xf32, #tpu.memory_space<vmem>>) offsets(%dma_start3A_12 : memref<16xi32, #tpu.memory_space<vmem>>) semaphore(%arg13 : memref<!tpu.dma_semaphore, #tpu.memory_space<semaphore_mem>>)
    %dma_start3A_16 = arith.constant 2 : i32
    %dma_start3A_17 = arith.constant 0 : i32
    %dma_start3A_18 = tpu.memref_slice %arg5[%dma_start3A_16, %dma_start3A_17] : memref<16x16xi32, #tpu.memory_space<vmem>> -> memref<1x16xi32, #tpu.memory_space<vmem>>
    %dma_start3A_19 = tpu.memref_squeeze %dma_start3A_18 : memref<1x16xi32, #tpu.memory_space<vmem>> -> memref<16xi32, #tpu.memory_space<vmem>>
    %dma_start3A_20 = arith.constant 0 : i32
    %dma_start3A_21 = arith.constant 0 : i32
    %dma_start3A_22 = tpu.memref_slice %arg2[%dma_start3A_20, %dma_start3A_21] : memref<8192x1024xf32, #tpu.memory_space<hbm>> -> memref<8192x1024xf32, #tpu.memory_space<hbm>>
    tpu.enqueue_indirect_dma source(%dma_start3A_22 : memref<8192x1024xf32, #tpu.memory_space<hbm>>) target(%arg8 : memref<16x1024xf32, #tpu.memory_space<vmem>>) offsets(%dma_start3A_19 : memref<16xi32, #tpu.memory_space<vmem>>) semaphore(%arg14 : memref<!tpu.dma_semaphore, #tpu.memory_space<semaphore_mem>>)
    %dma_start3A_23 = arith.constant 3 : i32
    %dma_start3A_24 = arith.constant 0 : i32
    %dma_start3A_25 = tpu.memref_slice %arg5[%dma_start3A_23, %dma_start3A_24] : memref<16x16xi32, #tpu.memory_space<vmem>> -> memref<1x16xi32, #tpu.memory_space<vmem>>
    %dma_start3A_26 = tpu.memref_squeeze %dma_start3A_25 : memref<1x16xi32, #tpu.memory_space<vmem>> -> memref<16xi32, #tpu.memory_space<vmem>>
    %dma_start3A_27 = arith.constant 0 : i32
    %dma_start3A_28 = arith.constant 0 : i32
    %dma_start3A_29 = tpu.memref_slice %arg2[%dma_start3A_27, %dma_start3A_28] : memref<8192x1024xf32, #tpu.memory_space<hbm>> -> memref<8192x1024xf32, #tpu.memory_space<hbm>>
    tpu.enqueue_indirect_dma source(%dma_start3A_29 : memref<8192x1024xf32, #tpu.memory_space<hbm>>) target(%arg9 : memref<16x1024xf32, #tpu.memory_space<vmem>>) offsets(%dma_start3A_26 : memref<16xi32, #tpu.memory_space<vmem>>) semaphore(%arg15 : memref<!tpu.dma_semaphore, #tpu.memory_space<semaphore_mem>>)
    %dma_start3A_30 = arith.constant 4 : i32
    %dma_start3A_31 = arith.constant 0 : i32
    %dma_start3A_32 = tpu.memref_slice %arg5[%dma_start3A_30, %dma_start3A_31] : memref<16x16xi32, #tpu.memory_space<vmem>> -> memref<1x16xi32, #tpu.memory_space<vmem>>
    %dma_start3A_33 = tpu.memref_squeeze %dma_start3A_32 : memref<1x16xi32, #tpu.memory_space<vmem>> -> memref<16xi32, #tpu.memory_space<vmem>>
    %dma_start3A_34 = arith.constant 0 : i32
    %dma_start3A_35 = arith.constant 0 : i32
    %dma_start3A_36 = tpu.memref_slice %arg2[%dma_start3A_34, %dma_start3A_35] : memref<8192x1024xf32, #tpu.memory_space<hbm>> -> memref<8192x1024xf32, #tpu.memory_space<hbm>>
    tpu.enqueue_indirect_dma source(%dma_start3A_36 : memref<8192x1024xf32, #tpu.memory_space<hbm>>) target(%arg10 : memref<16x1024xf32, #tpu.memory_space<vmem>>) offsets(%dma_start3A_33 : memref<16xi32, #tpu.memory_space<vmem>>) semaphore(%arg16 : memref<!tpu.dma_semaphore, #tpu.memory_space<semaphore_mem>>)
    %dma_start3A_37 = arith.constant 5 : i32
    %dma_start3A_38 = arith.constant 0 : i32
    %dma_start3A_39 = tpu.memref_slice %arg5[%dma_start3A_37, %dma_start3A_38] : memref<16x16xi32, #tpu.memory_space<vmem>> -> memref<1x16xi32, #tpu.memory_space<vmem>>
    %dma_start3A_40 = tpu.memref_squeeze %dma_start3A_39 : memref<1x16xi32, #tpu.memory_space<vmem>> -> memref<16xi32, #tpu.memory_space<vmem>>
    %dma_start3A_41 = arith.constant 0 : i32
    %dma_start3A_42 = arith.constant 0 : i32
    %dma_start3A_43 = tpu.memref_slice %arg2[%dma_start3A_41, %dma_start3A_42] : memref<8192x1024xf32, #tpu.memory_space<hbm>> -> memref<8192x1024xf32, #tpu.memory_space<hbm>>
    tpu.enqueue_indirect_dma source(%dma_start3A_43 : memref<8192x1024xf32, #tpu.memory_space<hbm>>) target(%arg11 : memref<16x1024xf32, #tpu.memory_space<vmem>>) offsets(%dma_start3A_40 : memref<16xi32, #tpu.memory_space<vmem>>) semaphore(%arg17 : memref<!tpu.dma_semaphore, #tpu.memory_space<semaphore_mem>>)
    %dma_wait3A = arith.constant 0 : i32
    %dma_wait3A_44 = arith.constant 0 : i32
    %dma_wait3A_45 = tpu.memref_slice %arg5[%dma_wait3A, %dma_wait3A_44] : memref<16x16xi32, #tpu.memory_space<vmem>> -> memref<1x16xi32, #tpu.memory_space<vmem>>
    %dma_wait3A_46 = tpu.memref_squeeze %dma_wait3A_45 : memref<1x16xi32, #tpu.memory_space<vmem>> -> memref<16xi32, #tpu.memory_space<vmem>>
    %dma_wait3A_47 = arith.constant 0 : i32
    %dma_wait3A_48 = arith.constant 0 : i32
    %dma_wait3A_49 = tpu.memref_slice %arg2[%dma_wait3A_47, %dma_wait3A_48] : memref<8192x1024xf32, #tpu.memory_space<hbm>> -> memref<8192x1024xf32, #tpu.memory_space<hbm>>
    tpu.wait_indirect_dma semaphore(%arg12 : memref<!tpu.dma_semaphore, #tpu.memory_space<semaphore_mem>>) src(%dma_wait3A_49 : memref<8192x1024xf32, #tpu.memory_space<hbm>>) dst(%arg6 : memref<16x1024xf32, #tpu.memory_space<vmem>>)
    %add3A_50 = arith.constant 0 : i32
    %add3A_51 = arith.addi %mul3A_2, %add3A_50 : i32
    %dma_start3A_52 = arith.constant 0 : i32
    %dma_start3A_53 = tpu.memref_slice %arg4[%add3A_51, %dma_start3A_52] : memref<8192x1024xf32, #tpu.memory_space<hbm>> -> memref<16x1024xf32, #tpu.memory_space<hbm>>
    %dma_start3A_54 = arith.constant 0 : i32
    %dma_start3A_55 = tpu.memref_slice %arg4[%add3A_51, %dma_start3A_54] : memref<8192x1024xf32, #tpu.memory_space<hbm>> -> memref<16x1024xf32, #tpu.memory_space<hbm>>
    tpu.enqueue_dma source(%arg6 : memref<16x1024xf32, #tpu.memory_space<vmem>>) target(%dma_start3A_55 : memref<16x1024xf32, #tpu.memory_space<hbm>>) target_semaphore(%arg18 : memref<!tpu.dma_semaphore, #tpu.memory_space<semaphore_mem>>)
    %dma_wait3A_56 = arith.constant 0 : i32
    %dma_wait3A_57 = tpu.memref_slice %arg4[%add3A_51, %dma_wait3A_56] : memref<8192x1024xf32, #tpu.memory_space<hbm>> -> memref<16x1024xf32, #tpu.memory_space<hbm>>
    %dma_wait3A_58 = arith.constant 0 : i32
    %dma_wait3A_59 = tpu.memref_slice %arg4[%add3A_51, %dma_wait3A_58] : memref<8192x1024xf32, #tpu.memory_space<hbm>> -> memref<16x1024xf32, #tpu.memory_space<hbm>>
    tpu.wait_dma2 semaphore(%arg18 : memref<!tpu.dma_semaphore, #tpu.memory_space<semaphore_mem>>) src(%arg6 : memref<16x1024xf32, #tpu.memory_space<vmem>>) dst(%dma_wait3A_59 : memref<16x1024xf32, #tpu.memory_space<hbm>>)
    %dma_start3A_60 = arith.constant 6 : i32
    %dma_start3A_61 = arith.constant 0 : i32
    %dma_start3A_62 = tpu.memref_slice %arg5[%dma_start3A_60, %dma_start3A_61] : memref<16x16xi32, #tpu.memory_space<vmem>> -> memref<1x16xi32, #tpu.memory_space<vmem>>
    %dma_start3A_63 = tpu.memref_squeeze %dma_start3A_62 : memref<1x16xi32, #tpu.memory_space<vmem>> -> memref<16xi32, #tpu.memory_space<vmem>>
    %dma_start3A_64 = arith.constant 0 : i32
    %dma_start3A_65 = arith.constant 0 : i32
    %dma_start3A_66 = tpu.memref_slice %arg2[%dma_start3A_64, %dma_start3A_65] : memref<8192x1024xf32, #tpu.memory_space<hbm>> -> memref<8192x1024xf32, #tpu.memory_space<hbm>>
    tpu.enqueue_indirect_dma source(%dma_start3A_66 : memref<8192x1024xf32, #tpu.memory_space<hbm>>) target(%arg6 : memref<16x1024xf32, #tpu.memory_space<vmem>>) offsets(%dma_start3A_63 : memref<16xi32, #tpu.memory_space<vmem>>) semaphore(%arg12 : memref<!tpu.dma_semaphore, #tpu.memory_space<semaphore_mem>>)
    %dma_wait3A_67 = arith.constant 1 : i32
    %dma_wait3A_68 = arith.constant 0 : i32
    %dma_wait3A_69 = tpu.memref_slice %arg5[%dma_wait3A_67, %dma_wait3A_68] : memref<16x16xi32, #tpu.memory_space<vmem>> -> memref<1x16xi32, #tpu.memory_space<vmem>>
    %dma_wait3A_70 = tpu.memref_squeeze %dma_wait3A_69 : memref<1x16xi32, #tpu.memory_space<vmem>> -> memref<16xi32, #tpu.memory_space<vmem>>
    %dma_wait3A_71 = arith.constant 0 : i32
    %dma_wait3A_72 = arith.constant 0 : i32
    %dma_wait3A_73 = tpu.memref_slice %arg2[%dma_wait3A_71, %dma_wait3A_72] : memref<8192x1024xf32, #tpu.memory_space<hbm>> -> memref<8192x1024xf32, #tpu.memory_space<hbm>>
    tpu.wait_indirect_dma semaphore(%arg13 : memref<!tpu.dma_semaphore, #tpu.memory_space<semaphore_mem>>) src(%dma_wait3A_73 : memref<8192x1024xf32, #tpu.memory_space<hbm>>) dst(%arg7 : memref<16x1024xf32, #tpu.memory_space<vmem>>)
    %add3A_74 = arith.constant 16 : i32
    %add3A_75 = arith.addi %mul3A_2, %add3A_74 : i32
    %dma_start3A_76 = arith.constant 0 : i32
    %dma_start3A_77 = tpu.memref_slice %arg4[%add3A_75, %dma_start3A_76] : memref<8192x1024xf32, #tpu.memory_space<hbm>> -> memref<16x1024xf32, #tpu.memory_space<hbm>>
    %dma_start3A_78 = arith.constant 0 : i32
    %dma_start3A_79 = tpu.memref_slice %arg4[%add3A_75, %dma_start3A_78] : memref<8192x1024xf32, #tpu.memory_space<hbm>> -> memref<16x1024xf32, #tpu.memory_space<hbm>>
    tpu.enqueue_dma source(%arg7 : memref<16x1024xf32, #tpu.memory_space<vmem>>) target(%dma_start3A_79 : memref<16x1024xf32, #tpu.memory_space<hbm>>) target_semaphore(%arg19 : memref<!tpu.dma_semaphore, #tpu.memory_space<semaphore_mem>>)
    %dma_wait3A_80 = arith.constant 0 : i32
    %dma_wait3A_81 = tpu.memref_slice %arg4[%add3A_75, %dma_wait3A_80] : memref<8192x1024xf32, #tpu.memory_space<hbm>> -> memref<16x1024xf32, #tpu.memory_space<hbm>>
    %dma_wait3A_82 = arith.constant 0 : i32
    %dma_wait3A_83 = tpu.memref_slice %arg4[%add3A_75, %dma_wait3A_82] : memref<8192x1024xf32, #tpu.memory_space<hbm>> -> memref<16x1024xf32, #tpu.memory_space<hbm>>
    tpu.wait_dma2 semaphore(%arg19 : memref<!tpu.dma_semaphore, #tpu.memory_space<semaphore_mem>>) src(%arg7 : memref<16x1024xf32, #tpu.memory_space<vmem>>) dst(%dma_wait3A_83 : memref<16x1024xf32, #tpu.memory_space<hbm>>)
    %dma_start3A_84 = arith.constant 7 : i32
    %dma_start3A_85 = arith.constant 0 : i32
    %dma_start3A_86 = tpu.memref_slice %arg5[%dma_start3A_84, %dma_start3A_85] : memref<16x16xi32, #tpu.memory_space<vmem>> -> memref<1x16xi32, #tpu.memory_space<vmem>>
    %dma_start3A_87 = tpu.memref_squeeze %dma_start3A_86 : memref<1x16xi32, #tpu.memory_space<vmem>> -> memref<16xi32, #tpu.memory_space<vmem>>
    %dma_start3A_88 = arith.constant 0 : i32
    %dma_start3A_89 = arith.constant 0 : i32
    %dma_start3A_90 = tpu.memref_slice %arg2[%dma_start3A_88, %dma_start3A_89] : memref<8192x1024xf32, #tpu.memory_space<hbm>> -> memref<8192x1024xf32, #tpu.memory_space<hbm>>
    tpu.enqueue_indirect_dma source(%dma_start3A_90 : memref<8192x1024xf32, #tpu.memory_space<hbm>>) target(%arg7 : memref<16x1024xf32, #tpu.memory_space<vmem>>) offsets(%dma_start3A_87 : memref<16xi32, #tpu.memory_space<vmem>>) semaphore(%arg13 : memref<!tpu.dma_semaphore, #tpu.memory_space<semaphore_mem>>)
    %dma_wait3A_91 = arith.constant 2 : i32
    %dma_wait3A_92 = arith.constant 0 : i32
    %dma_wait3A_93 = tpu.memref_slice %arg5[%dma_wait3A_91, %dma_wait3A_92] : memref<16x16xi32, #tpu.memory_space<vmem>> -> memref<1x16xi32, #tpu.memory_space<vmem>>
    %dma_wait3A_94 = tpu.memref_squeeze %dma_wait3A_93 : memref<1x16xi32, #tpu.memory_space<vmem>> -> memref<16xi32, #tpu.memory_space<vmem>>
    %dma_wait3A_95 = arith.constant 0 : i32
    %dma_wait3A_96 = arith.constant 0 : i32
    %dma_wait3A_97 = tpu.memref_slice %arg2[%dma_wait3A_95, %dma_wait3A_96] : memref<8192x1024xf32, #tpu.memory_space<hbm>> -> memref<8192x1024xf32, #tpu.memory_space<hbm>>
    tpu.wait_indirect_dma semaphore(%arg14 : memref<!tpu.dma_semaphore, #tpu.memory_space<semaphore_mem>>) src(%dma_wait3A_97 : memref<8192x1024xf32, #tpu.memory_space<hbm>>) dst(%arg8 : memref<16x1024xf32, #tpu.memory_space<vmem>>)
    %add3A_98 = arith.constant 32 : i32
    %add3A_99 = arith.addi %mul3A_2, %add3A_98 : i32
    %dma_start3A_100 = arith.constant 0 : i32
    %dma_start3A_101 = tpu.memref_slice %arg4[%add3A_99, %dma_start3A_100] : memref<8192x1024xf32, #tpu.memory_space<hbm>> -> memref<16x1024xf32, #tpu.memory_space<hbm>>
    %dma_start3A_102 = arith.constant 0 : i32
    %dma_start3A_103 = tpu.memref_slice %arg4[%add3A_99, %dma_start3A_102] : memref<8192x1024xf32, #tpu.memory_space<hbm>> -> memref<16x1024xf32, #tpu.memory_space<hbm>>
    tpu.enqueue_dma source(%arg8 : memref<16x1024xf32, #tpu.memory_space<vmem>>) target(%dma_start3A_103 : memref<16x1024xf32, #tpu.memory_space<hbm>>) target_semaphore(%arg20 : memref<!tpu.dma_semaphore, #tpu.memory_space<semaphore_mem>>)
    %dma_wait3A_104 = arith.constant 0 : i32
    %dma_wait3A_105 = tpu.memref_slice %arg4[%add3A_99, %dma_wait3A_104] : memref<8192x1024xf32, #tpu.memory_space<hbm>> -> memref<16x1024xf32, #tpu.memory_space<hbm>>
    %dma_wait3A_106 = arith.constant 0 : i32
    %dma_wait3A_107 = tpu.memref_slice %arg4[%add3A_99, %dma_wait3A_106] : memref<8192x1024xf32, #tpu.memory_space<hbm>> -> memref<16x1024xf32, #tpu.memory_space<hbm>>
    tpu.wait_dma2 semaphore(%arg20 : memref<!tpu.dma_semaphore, #tpu.memory_space<semaphore_mem>>) src(%arg8 : memref<16x1024xf32, #tpu.memory_space<vmem>>) dst(%dma_wait3A_107 : memref<16x1024xf32, #tpu.memory_space<hbm>>)
    %dma_start3A_108 = arith.constant 8 : i32
    %dma_start3A_109 = arith.constant 0 : i32
    %dma_start3A_110 = tpu.memref_slice %arg5[%dma_start3A_108, %dma_start3A_109] : memref<16x16xi32, #tpu.memory_space<vmem>> -> memref<1x16xi32, #tpu.memory_space<vmem>>
    %dma_start3A_111 = tpu.memref_squeeze %dma_start3A_110 : memref<1x16xi32, #tpu.memory_space<vmem>> -> memref<16xi32, #tpu.memory_space<vmem>>
    %dma_start3A_112 = arith.constant 0 : i32
    %dma_start3A_113 = arith.constant 0 : i32
    %dma_start3A_114 = tpu.memref_slice %arg2[%dma_start3A_112, %dma_start3A_113] : memref<8192x1024xf32, #tpu.memory_space<hbm>> -> memref<8192x1024xf32, #tpu.memory_space<hbm>>
    tpu.enqueue_indirect_dma source(%dma_start3A_114 : memref<8192x1024xf32, #tpu.memory_space<hbm>>) target(%arg8 : memref<16x1024xf32, #tpu.memory_space<vmem>>) offsets(%dma_start3A_111 : memref<16xi32, #tpu.memory_space<vmem>>) semaphore(%arg14 : memref<!tpu.dma_semaphore, #tpu.memory_space<semaphore_mem>>)
    %dma_wait3A_115 = arith.constant 3 : i32
    %dma_wait3A_116 = arith.constant 0 : i32
    %dma_wait3A_117 = tpu.memref_slice %arg5[%dma_wait3A_115, %dma_wait3A_116] : memref<16x16xi32, #tpu.memory_space<vmem>> -> memref<1x16xi32, #tpu.memory_space<vmem>>
    %dma_wait3A_118 = tpu.memref_squeeze %dma_wait3A_117 : memref<1x16xi32, #tpu.memory_space<vmem>> -> memref<16xi32, #tpu.memory_space<vmem>>
    %dma_wait3A_119 = arith.constant 0 : i32
    %dma_wait3A_120 = arith.constant 0 : i32
    %dma_wait3A_121 = tpu.memref_slice %arg2[%dma_wait3A_119, %dma_wait3A_120] : memref<8192x1024xf32, #tpu.memory_space<hbm>> -> memref<8192x1024xf32, #tpu.memory_space<hbm>>
    tpu.wait_indirect_dma semaphore(%arg15 : memref<!tpu.dma_semaphore, #tpu.memory_space<semaphore_mem>>) src(%dma_wait3A_121 : memref<8192x1024xf32, #tpu.memory_space<hbm>>) dst(%arg9 : memref<16x1024xf32, #tpu.memory_space<vmem>>)
    %add3A_122 = arith.constant 48 : i32
    %add3A_123 = arith.addi %mul3A_2, %add3A_122 : i32
    %dma_start3A_124 = arith.constant 0 : i32
    %dma_start3A_125 = tpu.memref_slice %arg4[%add3A_123, %dma_start3A_124] : memref<8192x1024xf32, #tpu.memory_space<hbm>> -> memref<16x1024xf32, #tpu.memory_space<hbm>>
    %dma_start3A_126 = arith.constant 0 : i32
    %dma_start3A_127 = tpu.memref_slice %arg4[%add3A_123, %dma_start3A_126] : memref<8192x1024xf32, #tpu.memory_space<hbm>> -> memref<16x1024xf32, #tpu.memory_space<hbm>>
    tpu.enqueue_dma source(%arg9 : memref<16x1024xf32, #tpu.memory_space<vmem>>) target(%dma_start3A_127 : memref<16x1024xf32, #tpu.memory_space<hbm>>) target_semaphore(%arg21 : memref<!tpu.dma_semaphore, #tpu.memory_space<semaphore_mem>>)
    %dma_wait3A_128 = arith.constant 0 : i32
    %dma_wait3A_129 = tpu.memref_slice %arg4[%add3A_123, %dma_wait3A_128] : memref<8192x1024xf32, #tpu.memory_space<hbm>> -> memref<16x1024xf32, #tpu.memory_space<hbm>>
    %dma_wait3A_130 = arith.constant 0 : i32
    %dma_wait3A_131 = tpu.memref_slice %arg4[%add3A_123, %dma_wait3A_130] : memref<8192x1024xf32, #tpu.memory_space<hbm>> -> memref<16x1024xf32, #tpu.memory_space<hbm>>
    tpu.wait_dma2 semaphore(%arg21 : memref<!tpu.dma_semaphore, #tpu.memory_space<semaphore_mem>>) src(%arg9 : memref<16x1024xf32, #tpu.memory_space<vmem>>) dst(%dma_wait3A_131 : memref<16x1024xf32, #tpu.memory_space<hbm>>)
    %dma_start3A_132 = arith.constant 9 : i32
    %dma_start3A_133 = arith.constant 0 : i32
    %dma_start3A_134 = tpu.memref_slice %arg5[%dma_start3A_132, %dma_start3A_133] : memref<16x16xi32, #tpu.memory_space<vmem>> -> memref<1x16xi32, #tpu.memory_space<vmem>>
    %dma_start3A_135 = tpu.memref_squeeze %dma_start3A_134 : memref<1x16xi32, #tpu.memory_space<vmem>> -> memref<16xi32, #tpu.memory_space<vmem>>
    %dma_start3A_136 = arith.constant 0 : i32
    %dma_start3A_137 = arith.constant 0 : i32
    %dma_start3A_138 = tpu.memref_slice %arg2[%dma_start3A_136, %dma_start3A_137] : memref<8192x1024xf32, #tpu.memory_space<hbm>> -> memref<8192x1024xf32, #tpu.memory_space<hbm>>
    tpu.enqueue_indirect_dma source(%dma_start3A_138 : memref<8192x1024xf32, #tpu.memory_space<hbm>>) target(%arg9 : memref<16x1024xf32, #tpu.memory_space<vmem>>) offsets(%dma_start3A_135 : memref<16xi32, #tpu.memory_space<vmem>>) semaphore(%arg15 : memref<!tpu.dma_semaphore, #tpu.memory_space<semaphore_mem>>)
    %dma_wait3A_139 = arith.constant 4 : i32
    %dma_wait3A_140 = arith.constant 0 : i32
    %dma_wait3A_141 = tpu.memref_slice %arg5[%dma_wait3A_139, %dma_wait3A_140] : memref<16x16xi32, #tpu.memory_space<vmem>> -> memref<1x16xi32, #tpu.memory_space<vmem>>
    %dma_wait3A_142 = tpu.memref_squeeze %dma_wait3A_141 : memref<1x16xi32, #tpu.memory_space<vmem>> -> memref<16xi32, #tpu.memory_space<vmem>>
    %dma_wait3A_143 = arith.constant 0 : i32
    %dma_wait3A_144 = arith.constant 0 : i32
    %dma_wait3A_145 = tpu.memref_slice %arg2[%dma_wait3A_143, %dma_wait3A_144] : memref<8192x1024xf32, #tpu.memory_space<hbm>> -> memref<8192x1024xf32, #tpu.memory_space<hbm>>
    tpu.wait_indirect_dma semaphore(%arg16 : memref<!tpu.dma_semaphore, #tpu.memory_space<semaphore_mem>>) src(%dma_wait3A_145 : memref<8192x1024xf32, #tpu.memory_space<hbm>>) dst(%arg10 : memref<16x1024xf32, #tpu.memory_space<vmem>>)
    %add3A_146 = arith.constant 64 : i32
    %add3A_147 = arith.addi %mul3A_2, %add3A_146 : i32
    %dma_start3A_148 = arith.constant 0 : i32
    %dma_start3A_149 = tpu.memref_slice %arg4[%add3A_147, %dma_start3A_148] : memref<8192x1024xf32, #tpu.memory_space<hbm>> -> memref<16x1024xf32, #tpu.memory_space<hbm>>
    %dma_start3A_150 = arith.constant 0 : i32
    %dma_start3A_151 = tpu.memref_slice %arg4[%add3A_147, %dma_start3A_150] : memref<8192x1024xf32, #tpu.memory_space<hbm>> -> memref<16x1024xf32, #tpu.memory_space<hbm>>
    tpu.enqueue_dma source(%arg10 : memref<16x1024xf32, #tpu.memory_space<vmem>>) target(%dma_start3A_151 : memref<16x1024xf32, #tpu.memory_space<hbm>>) target_semaphore(%arg22 : memref<!tpu.dma_semaphore, #tpu.memory_space<semaphore_mem>>)
    %dma_wait3A_152 = arith.constant 0 : i32
    %dma_wait3A_153 = tpu.memref_slice %arg4[%add3A_147, %dma_wait3A_152] : memref<8192x1024xf32, #tpu.memory_space<hbm>> -> memref<16x1024xf32, #tpu.memory_space<hbm>>
    %dma_wait3A_154 = arith.constant 0 : i32
    %dma_wait3A_155 = tpu.memref_slice %arg4[%add3A_147, %dma_wait3A_154] : memref<8192x1024xf32, #tpu.memory_space<hbm>> -> memref<16x1024xf32, #tpu.memory_space<hbm>>
    tpu.wait_dma2 semaphore(%arg22 : memref<!tpu.dma_semaphore, #tpu.memory_space<semaphore_mem>>) src(%arg10 : memref<16x1024xf32, #tpu.memory_space<vmem>>) dst(%dma_wait3A_155 : memref<16x1024xf32, #tpu.memory_space<hbm>>)
    %dma_start3A_156 = arith.constant 10 : i32
    %dma_start3A_157 = arith.constant 0 : i32
    %dma_start3A_158 = tpu.memref_slice %arg5[%dma_start3A_156, %dma_start3A_157] : memref<16x16xi32, #tpu.memory_space<vmem>> -> memref<1x16xi32, #tpu.memory_space<vmem>>
    %dma_start3A_159 = tpu.memref_squeeze %dma_start3A_158 : memref<1x16xi32, #tpu.memory_space<vmem>> -> memref<16xi32, #tpu.memory_space<vmem>>
    %dma_start3A_160 = arith.constant 0 : i32
    %dma_start3A_161 = arith.constant 0 : i32
    %dma_start3A_162 = tpu.memref_slice %arg2[%dma_start3A_160, %dma_start3A_161] : memref<8192x1024xf32, #tpu.memory_space<hbm>> -> memref<8192x1024xf32, #tpu.memory_space<hbm>>
    tpu.enqueue_indirect_dma source(%dma_start3A_162 : memref<8192x1024xf32, #tpu.memory_space<hbm>>) target(%arg10 : memref<16x1024xf32, #tpu.memory_space<vmem>>) offsets(%dma_start3A_159 : memref<16xi32, #tpu.memory_space<vmem>>) semaphore(%arg16 : memref<!tpu.dma_semaphore, #tpu.memory_space<semaphore_mem>>)
    %dma_wait3A_163 = arith.constant 5 : i32
    %dma_wait3A_164 = arith.constant 0 : i32
    %dma_wait3A_165 = tpu.memref_slice %arg5[%dma_wait3A_163, %dma_wait3A_164] : memref<16x16xi32, #tpu.memory_space<vmem>> -> memref<1x16xi32, #tpu.memory_space<vmem>>
    %dma_wait3A_166 = tpu.memref_squeeze %dma_wait3A_165 : memref<1x16xi32, #tpu.memory_space<vmem>> -> memref<16xi32, #tpu.memory_space<vmem>>
    %dma_wait3A_167 = arith.constant 0 : i32
    %dma_wait3A_168 = arith.constant 0 : i32
    %dma_wait3A_169 = tpu.memref_slice %arg2[%dma_wait3A_167, %dma_wait3A_168] : memref<8192x1024xf32, #tpu.memory_space<hbm>> -> memref<8192x1024xf32, #tpu.memory_space<hbm>>
    tpu.wait_indirect_dma semaphore(%arg17 : memref<!tpu.dma_semaphore, #tpu.memory_space<semaphore_mem>>) src(%dma_wait3A_169 : memref<8192x1024xf32, #tpu.memory_space<hbm>>) dst(%arg11 : memref<16x1024xf32, #tpu.memory_space<vmem>>)
    %add3A_170 = arith.constant 80 : i32
    %add3A_171 = arith.addi %mul3A_2, %add3A_170 : i32
    %dma_start3A_172 = arith.constant 0 : i32
    %dma_start3A_173 = tpu.memref_slice %arg4[%add3A_171, %dma_start3A_172] : memref<8192x1024xf32, #tpu.memory_space<hbm>> -> memref<16x1024xf32, #tpu.memory_space<hbm>>
    %dma_start3A_174 = arith.constant 0 : i32
    %dma_start3A_175 = tpu.memref_slice %arg4[%add3A_171, %dma_start3A_174] : memref<8192x1024xf32, #tpu.memory_space<hbm>> -> memref<16x1024xf32, #tpu.memory_space<hbm>>
    tpu.enqueue_dma source(%arg11 : memref<16x1024xf32, #tpu.memory_space<vmem>>) target(%dma_start3A_175 : memref<16x1024xf32, #tpu.memory_space<hbm>>) target_semaphore(%arg23 : memref<!tpu.dma_semaphore, #tpu.memory_space<semaphore_mem>>)
    %dma_wait3A_176 = arith.constant 0 : i32
    %dma_wait3A_177 = tpu.memref_slice %arg4[%add3A_171, %dma_wait3A_176] : memref<8192x1024xf32, #tpu.memory_space<hbm>> -> memref<16x1024xf32, #tpu.memory_space<hbm>>
    %dma_wait3A_178 = arith.constant 0 : i32
    %dma_wait3A_179 = tpu.memref_slice %arg4[%add3A_171, %dma_wait3A_178] : memref<8192x1024xf32, #tpu.memory_space<hbm>> -> memref<16x1024xf32, #tpu.memory_space<hbm>>
    tpu.wait_dma2 semaphore(%arg23 : memref<!tpu.dma_semaphore, #tpu.memory_space<semaphore_mem>>) src(%arg11 : memref<16x1024xf32, #tpu.memory_space<vmem>>) dst(%dma_wait3A_179 : memref<16x1024xf32, #tpu.memory_space<hbm>>)
    %dma_start3A_180 = arith.constant 11 : i32
    %dma_start3A_181 = arith.constant 0 : i32
    %dma_start3A_182 = tpu.memref_slice %arg5[%dma_start3A_180, %dma_start3A_181] : memref<16x16xi32, #tpu.memory_space<vmem>> -> memref<1x16xi32, #tpu.memory_space<vmem>>
    %dma_start3A_183 = tpu.memref_squeeze %dma_start3A_182 : memref<1x16xi32, #tpu.memory_space<vmem>> -> memref<16xi32, #tpu.memory_space<vmem>>
    %dma_start3A_184 = arith.constant 0 : i32
    %dma_start3A_185 = arith.constant 0 : i32
    %dma_start3A_186 = tpu.memref_slice %arg2[%dma_start3A_184, %dma_start3A_185] : memref<8192x1024xf32, #tpu.memory_space<hbm>> -> memref<8192x1024xf32, #tpu.memory_space<hbm>>
    tpu.enqueue_indirect_dma source(%dma_start3A_186 : memref<8192x1024xf32, #tpu.memory_space<hbm>>) target(%arg11 : memref<16x1024xf32, #tpu.memory_space<vmem>>) offsets(%dma_start3A_183 : memref<16xi32, #tpu.memory_space<vmem>>) semaphore(%arg17 : memref<!tpu.dma_semaphore, #tpu.memory_space<semaphore_mem>>)
    %dma_wait3A_187 = arith.constant 6 : i32
    %dma_wait3A_188 = arith.constant 0 : i32
    %dma_wait3A_189 = tpu.memref_slice %arg5[%dma_wait3A_187, %dma_wait3A_188] : memref<16x16xi32, #tpu.memory_space<vmem>> -> memref<1x16xi32, #tpu.memory_space<vmem>>
    %dma_wait3A_190 = tpu.memref_squeeze %dma_wait3A_189 : memref<1x16xi32, #tpu.memory_space<vmem>> -> memref<16xi32, #tpu.memory_space<vmem>>
    %dma_wait3A_191 = arith.constant 0 : i32
    %dma_wait3A_192 = arith.constant 0 : i32
    %dma_wait3A_193 = tpu.memref_slice %arg2[%dma_wait3A_191, %dma_wait3A_192] : memref<8192x1024xf32, #tpu.memory_space<hbm>> -> memref<8192x1024xf32, #tpu.memory_space<hbm>>
    tpu.wait_indirect_dma semaphore(%arg12 : memref<!tpu.dma_semaphore, #tpu.memory_space<semaphore_mem>>) src(%dma_wait3A_193 : memref<8192x1024xf32, #tpu.memory_space<hbm>>) dst(%arg6 : memref<16x1024xf32, #tpu.memory_space<vmem>>)
    %add3A_194 = arith.constant 96 : i32
    %add3A_195 = arith.addi %mul3A_2, %add3A_194 : i32
    %dma_start3A_196 = arith.constant 0 : i32
    %dma_start3A_197 = tpu.memref_slice %arg4[%add3A_195, %dma_start3A_196] : memref<8192x1024xf32, #tpu.memory_space<hbm>> -> memref<16x1024xf32, #tpu.memory_space<hbm>>
    %dma_start3A_198 = arith.constant 0 : i32
    %dma_start3A_199 = tpu.memref_slice %arg4[%add3A_195, %dma_start3A_198] : memref<8192x1024xf32, #tpu.memory_space<hbm>> -> memref<16x1024xf32, #tpu.memory_space<hbm>>
    tpu.enqueue_dma source(%arg6 : memref<16x1024xf32, #tpu.memory_space<vmem>>) target(%dma_start3A_199 : memref<16x1024xf32, #tpu.memory_space<hbm>>) target_semaphore(%arg18 : memref<!tpu.dma_semaphore, #tpu.memory_space<semaphore_mem>>)
    %dma_wait3A_200 = arith.constant 0 : i32
    %dma_wait3A_201 = tpu.memref_slice %arg4[%add3A_195, %dma_wait3A_200] : memref<8192x1024xf32, #tpu.memory_space<hbm>> -> memref<16x1024xf32, #tpu.memory_space<hbm>>
    %dma_wait3A_202 = arith.constant 0 : i32
    %dma_wait3A_203 = tpu.memref_slice %arg4[%add3A_195, %dma_wait3A_202] : memref<8192x1024xf32, #tpu.memory_space<hbm>> -> memref<16x1024xf32, #tpu.memory_space<hbm>>
    tpu.wait_dma2 semaphore(%arg18 : memref<!tpu.dma_semaphore, #tpu.memory_space<semaphore_mem>>) src(%arg6 : memref<16x1024xf32, #tpu.memory_space<vmem>>) dst(%dma_wait3A_203 : memref<16x1024xf32, #tpu.memory_space<hbm>>)
    %dma_start3A_204 = arith.constant 12 : i32
    %dma_start3A_205 = arith.constant 0 : i32
    %dma_start3A_206 = tpu.memref_slice %arg5[%dma_start3A_204, %dma_start3A_205] : memref<16x16xi32, #tpu.memory_space<vmem>> -> memref<1x16xi32, #tpu.memory_space<vmem>>
    %dma_start3A_207 = tpu.memref_squeeze %dma_start3A_206 : memref<1x16xi32, #tpu.memory_space<vmem>> -> memref<16xi32, #tpu.memory_space<vmem>>
    %dma_start3A_208 = arith.constant 0 : i32
    %dma_start3A_209 = arith.constant 0 : i32
    %dma_start3A_210 = tpu.memref_slice %arg2[%dma_start3A_208, %dma_start3A_209] : memref<8192x1024xf32, #tpu.memory_space<hbm>> -> memref<8192x1024xf32, #tpu.memory_space<hbm>>
    tpu.enqueue_indirect_dma source(%dma_start3A_210 : memref<8192x1024xf32, #tpu.memory_space<hbm>>) target(%arg6 : memref<16x1024xf32, #tpu.memory_space<vmem>>) offsets(%dma_start3A_207 : memref<16xi32, #tpu.memory_space<vmem>>) semaphore(%arg12 : memref<!tpu.dma_semaphore, #tpu.memory_space<semaphore_mem>>)
    %dma_wait3A_211 = arith.constant 7 : i32
    %dma_wait3A_212 = arith.constant 0 : i32
    %dma_wait3A_213 = tpu.memref_slice %arg5[%dma_wait3A_211, %dma_wait3A_212] : memref<16x16xi32, #tpu.memory_space<vmem>> -> memref<1x16xi32, #tpu.memory_space<vmem>>
    %dma_wait3A_214 = tpu.memref_squeeze %dma_wait3A_213 : memref<1x16xi32, #tpu.memory_space<vmem>> -> memref<16xi32, #tpu.memory_space<vmem>>
    %dma_wait3A_215 = arith.constant 0 : i32
    %dma_wait3A_216 = arith.constant 0 : i32
    %dma_wait3A_217 = tpu.memref_slice %arg2[%dma_wait3A_215, %dma_wait3A_216] : memref<8192x1024xf32, #tpu.memory_space<hbm>> -> memref<8192x1024xf32, #tpu.memory_space<hbm>>
    tpu.wait_indirect_dma semaphore(%arg13 : memref<!tpu.dma_semaphore, #tpu.memory_space<semaphore_mem>>) src(%dma_wait3A_217 : memref<8192x1024xf32, #tpu.memory_space<hbm>>) dst(%arg7 : memref<16x1024xf32, #tpu.memory_space<vmem>>)
    %add3A_218 = arith.constant 112 : i32
    %add3A_219 = arith.addi %mul3A_2, %add3A_218 : i32
    %dma_start3A_220 = arith.constant 0 : i32
    %dma_start3A_221 = tpu.memref_slice %arg4[%add3A_219, %dma_start3A_220] : memref<8192x1024xf32, #tpu.memory_space<hbm>> -> memref<16x1024xf32, #tpu.memory_space<hbm>>
    %dma_start3A_222 = arith.constant 0 : i32
    %dma_start3A_223 = tpu.memref_slice %arg4[%add3A_219, %dma_start3A_222] : memref<8192x1024xf32, #tpu.memory_space<hbm>> -> memref<16x1024xf32, #tpu.memory_space<hbm>>
    tpu.enqueue_dma source(%arg7 : memref<16x1024xf32, #tpu.memory_space<vmem>>) target(%dma_start3A_223 : memref<16x1024xf32, #tpu.memory_space<hbm>>) target_semaphore(%arg19 : memref<!tpu.dma_semaphore, #tpu.memory_space<semaphore_mem>>)
    %dma_wait3A_224 = arith.constant 0 : i32
    %dma_wait3A_225 = tpu.memref_slice %arg4[%add3A_219, %dma_wait3A_224] : memref<8192x1024xf32, #tpu.memory_space<hbm>> -> memref<16x1024xf32, #tpu.memory_space<hbm>>
    %dma_wait3A_226 = arith.constant 0 : i32
    %dma_wait3A_227 = tpu.memref_slice %arg4[%add3A_219, %dma_wait3A_226] : memref<8192x1024xf32, #tpu.memory_space<hbm>> -> memref<16x1024xf32, #tpu.memory_space<hbm>>
    tpu.wait_dma2 semaphore(%arg19 : memref<!tpu.dma_semaphore, #tpu.memory_space<semaphore_mem>>) src(%arg7 : memref<16x1024xf32, #tpu.memory_space<vmem>>) dst(%dma_wait3A_227 : memref<16x1024xf32, #tpu.memory_space<hbm>>)
    %dma_start3A_228 = arith.constant 13 : i32
    %dma_start3A_229 = arith.constant 0 : i32
    %dma_start3A_230 = tpu.memref_slice %arg5[%dma_start3A_228, %dma_start3A_229] : memref<16x16xi32, #tpu.memory_space<vmem>> -> memref<1x16xi32, #tpu.memory_space<vmem>>
    %dma_start3A_231 = tpu.memref_squeeze %dma_start3A_230 : memref<1x16xi32, #tpu.memory_space<vmem>> -> memref<16xi32, #tpu.memory_space<vmem>>
    %dma_start3A_232 = arith.constant 0 : i32
    %dma_start3A_233 = arith.constant 0 : i32
    %dma_start3A_234 = tpu.memref_slice %arg2[%dma_start3A_232, %dma_start3A_233] : memref<8192x1024xf32, #tpu.memory_space<hbm>> -> memref<8192x1024xf32, #tpu.memory_space<hbm>>
    tpu.enqueue_indirect_dma source(%dma_start3A_234 : memref<8192x1024xf32, #tpu.memory_space<hbm>>) target(%arg7 : memref<16x1024xf32, #tpu.memory_space<vmem>>) offsets(%dma_start3A_231 : memref<16xi32, #tpu.memory_space<vmem>>) semaphore(%arg13 : memref<!tpu.dma_semaphore, #tpu.memory_space<semaphore_mem>>)
    %dma_wait3A_235 = arith.constant 8 : i32
    %dma_wait3A_236 = arith.constant 0 : i32
    %dma_wait3A_237 = tpu.memref_slice %arg5[%dma_wait3A_235, %dma_wait3A_236] : memref<16x16xi32, #tpu.memory_space<vmem>> -> memref<1x16xi32, #tpu.memory_space<vmem>>
    %dma_wait3A_238 = tpu.memref_squeeze %dma_wait3A_237 : memref<1x16xi32, #tpu.memory_space<vmem>> -> memref<16xi32, #tpu.memory_space<vmem>>
    %dma_wait3A_239 = arith.constant 0 : i32
    %dma_wait3A_240 = arith.constant 0 : i32
    %dma_wait3A_241 = tpu.memref_slice %arg2[%dma_wait3A_239, %dma_wait3A_240] : memref<8192x1024xf32, #tpu.memory_space<hbm>> -> memref<8192x1024xf32, #tpu.memory_space<hbm>>
    tpu.wait_indirect_dma semaphore(%arg14 : memref<!tpu.dma_semaphore, #tpu.memory_space<semaphore_mem>>) src(%dma_wait3A_241 : memref<8192x1024xf32, #tpu.memory_space<hbm>>) dst(%arg8 : memref<16x1024xf32, #tpu.memory_space<vmem>>)
    %add3A_242 = arith.constant 128 : i32
    %add3A_243 = arith.addi %mul3A_2, %add3A_242 : i32
    %dma_start3A_244 = arith.constant 0 : i32
    %dma_start3A_245 = tpu.memref_slice %arg4[%add3A_243, %dma_start3A_244] : memref<8192x1024xf32, #tpu.memory_space<hbm>> -> memref<16x1024xf32, #tpu.memory_space<hbm>>
    %dma_start3A_246 = arith.constant 0 : i32
    %dma_start3A_247 = tpu.memref_slice %arg4[%add3A_243, %dma_start3A_246] : memref<8192x1024xf32, #tpu.memory_space<hbm>> -> memref<16x1024xf32, #tpu.memory_space<hbm>>
    tpu.enqueue_dma source(%arg8 : memref<16x1024xf32, #tpu.memory_space<vmem>>) target(%dma_start3A_247 : memref<16x1024xf32, #tpu.memory_space<hbm>>) target_semaphore(%arg20 : memref<!tpu.dma_semaphore, #tpu.memory_space<semaphore_mem>>)
    %dma_wait3A_248 = arith.constant 0 : i32
    %dma_wait3A_249 = tpu.memref_slice %arg4[%add3A_243, %dma_wait3A_248] : memref<8192x1024xf32, #tpu.memory_space<hbm>> -> memref<16x1024xf32, #tpu.memory_space<hbm>>
    %dma_wait3A_250 = arith.constant 0 : i32
    %dma_wait3A_251 = tpu.memref_slice %arg4[%add3A_243, %dma_wait3A_250] : memref<8192x1024xf32, #tpu.memory_space<hbm>> -> memref<16x1024xf32, #tpu.memory_space<hbm>>
    tpu.wait_dma2 semaphore(%arg20 : memref<!tpu.dma_semaphore, #tpu.memory_space<semaphore_mem>>) src(%arg8 : memref<16x1024xf32, #tpu.memory_space<vmem>>) dst(%dma_wait3A_251 : memref<16x1024xf32, #tpu.memory_space<hbm>>)
    %dma_start3A_252 = arith.constant 14 : i32
    %dma_start3A_253 = arith.constant 0 : i32
    %dma_start3A_254 = tpu.memref_slice %arg5[%dma_start3A_252, %dma_start3A_253] : memref<16x16xi32, #tpu.memory_space<vmem>> -> memref<1x16xi32, #tpu.memory_space<vmem>>
    %dma_start3A_255 = tpu.memref_squeeze %dma_start3A_254 : memref<1x16xi32, #tpu.memory_space<vmem>> -> memref<16xi32, #tpu.memory_space<vmem>>
    %dma_start3A_256 = arith.constant 0 : i32
    %dma_start3A_257 = arith.constant 0 : i32
    %dma_start3A_258 = tpu.memref_slice %arg2[%dma_start3A_256, %dma_start3A_257] : memref<8192x1024xf32, #tpu.memory_space<hbm>> -> memref<8192x1024xf32, #tpu.memory_space<hbm>>
    tpu.enqueue_indirect_dma source(%dma_start3A_258 : memref<8192x1024xf32, #tpu.memory_space<hbm>>) target(%arg8 : memref<16x1024xf32, #tpu.memory_space<vmem>>) offsets(%dma_start3A_255 : memref<16xi32, #tpu.memory_space<vmem>>) semaphore(%arg14 : memref<!tpu.dma_semaphore, #tpu.memory_space<semaphore_mem>>)
    %dma_wait3A_259 = arith.constant 9 : i32
    %dma_wait3A_260 = arith.constant 0 : i32
    %dma_wait3A_261 = tpu.memref_slice %arg5[%dma_wait3A_259, %dma_wait3A_260] : memref<16x16xi32, #tpu.memory_space<vmem>> -> memref<1x16xi32, #tpu.memory_space<vmem>>
    %dma_wait3A_262 = tpu.memref_squeeze %dma_wait3A_261 : memref<1x16xi32, #tpu.memory_space<vmem>> -> memref<16xi32, #tpu.memory_space<vmem>>
    %dma_wait3A_263 = arith.constant 0 : i32
    %dma_wait3A_264 = arith.constant 0 : i32
    %dma_wait3A_265 = tpu.memref_slice %arg2[%dma_wait3A_263, %dma_wait3A_264] : memref<8192x1024xf32, #tpu.memory_space<hbm>> -> memref<8192x1024xf32, #tpu.memory_space<hbm>>
    tpu.wait_indirect_dma semaphore(%arg15 : memref<!tpu.dma_semaphore, #tpu.memory_space<semaphore_mem>>) src(%dma_wait3A_265 : memref<8192x1024xf32, #tpu.memory_space<hbm>>) dst(%arg9 : memref<16x1024xf32, #tpu.memory_space<vmem>>)
    %add3A_266 = arith.constant 144 : i32
    %add3A_267 = arith.addi %mul3A_2, %add3A_266 : i32
    %dma_start3A_268 = arith.constant 0 : i32
    %dma_start3A_269 = tpu.memref_slice %arg4[%add3A_267, %dma_start3A_268] : memref<8192x1024xf32, #tpu.memory_space<hbm>> -> memref<16x1024xf32, #tpu.memory_space<hbm>>
    %dma_start3A_270 = arith.constant 0 : i32
    %dma_start3A_271 = tpu.memref_slice %arg4[%add3A_267, %dma_start3A_270] : memref<8192x1024xf32, #tpu.memory_space<hbm>> -> memref<16x1024xf32, #tpu.memory_space<hbm>>
    tpu.enqueue_dma source(%arg9 : memref<16x1024xf32, #tpu.memory_space<vmem>>) target(%dma_start3A_271 : memref<16x1024xf32, #tpu.memory_space<hbm>>) target_semaphore(%arg21 : memref<!tpu.dma_semaphore, #tpu.memory_space<semaphore_mem>>)
    %dma_wait3A_272 = arith.constant 0 : i32
    %dma_wait3A_273 = tpu.memref_slice %arg4[%add3A_267, %dma_wait3A_272] : memref<8192x1024xf32, #tpu.memory_space<hbm>> -> memref<16x1024xf32, #tpu.memory_space<hbm>>
    %dma_wait3A_274 = arith.constant 0 : i32
    %dma_wait3A_275 = tpu.memref_slice %arg4[%add3A_267, %dma_wait3A_274] : memref<8192x1024xf32, #tpu.memory_space<hbm>> -> memref<16x1024xf32, #tpu.memory_space<hbm>>
    tpu.wait_dma2 semaphore(%arg21 : memref<!tpu.dma_semaphore, #tpu.memory_space<semaphore_mem>>) src(%arg9 : memref<16x1024xf32, #tpu.memory_space<vmem>>) dst(%dma_wait3A_275 : memref<16x1024xf32, #tpu.memory_space<hbm>>)
    %dma_start3A_276 = arith.constant 15 : i32
    %dma_start3A_277 = arith.constant 0 : i32
    %dma_start3A_278 = tpu.memref_slice %arg5[%dma_start3A_276, %dma_start3A_277] : memref<16x16xi32, #tpu.memory_space<vmem>> -> memref<1x16xi32, #tpu.memory_space<vmem>>
    %dma_start3A_279 = tpu.memref_squeeze %dma_start3A_278 : memref<1x16xi32, #tpu.memory_space<vmem>> -> memref<16xi32, #tpu.memory_space<vmem>>
    %dma_start3A_280 = arith.constant 0 : i32
    %dma_start3A_281 = arith.constant 0 : i32
    %dma_start3A_282 = tpu.memref_slice %arg2[%dma_start3A_280, %dma_start3A_281] : memref<8192x1024xf32, #tpu.memory_space<hbm>> -> memref<8192x1024xf32, #tpu.memory_space<hbm>>
    tpu.enqueue_indirect_dma source(%dma_start3A_282 : memref<8192x1024xf32, #tpu.memory_space<hbm>>) target(%arg9 : memref<16x1024xf32, #tpu.memory_space<vmem>>) offsets(%dma_start3A_279 : memref<16xi32, #tpu.memory_space<vmem>>) semaphore(%arg15 : memref<!tpu.dma_semaphore, #tpu.memory_space<semaphore_mem>>)
    %dma_wait3A_283 = arith.constant 10 : i32
    %dma_wait3A_284 = arith.constant 0 : i32
    %dma_wait3A_285 = tpu.memref_slice %arg5[%dma_wait3A_283, %dma_wait3A_284] : memref<16x16xi32, #tpu.memory_space<vmem>> -> memref<1x16xi32, #tpu.memory_space<vmem>>
    %dma_wait3A_286 = tpu.memref_squeeze %dma_wait3A_285 : memref<1x16xi32, #tpu.memory_space<vmem>> -> memref<16xi32, #tpu.memory_space<vmem>>
    %dma_wait3A_287 = arith.constant 0 : i32
    %dma_wait3A_288 = arith.constant 0 : i32
    %dma_wait3A_289 = tpu.memref_slice %arg2[%dma_wait3A_287, %dma_wait3A_288] : memref<8192x1024xf32, #tpu.memory_space<hbm>> -> memref<8192x1024xf32, #tpu.memory_space<hbm>>
    tpu.wait_indirect_dma semaphore(%arg16 : memref<!tpu.dma_semaphore, #tpu.memory_space<semaphore_mem>>) src(%dma_wait3A_289 : memref<8192x1024xf32, #tpu.memory_space<hbm>>) dst(%arg10 : memref<16x1024xf32, #tpu.memory_space<vmem>>)
    %add3A_290 = arith.constant 160 : i32
    %add3A_291 = arith.addi %mul3A_2, %add3A_290 : i32
    %dma_start3A_292 = arith.constant 0 : i32
    %dma_start3A_293 = tpu.memref_slice %arg4[%add3A_291, %dma_start3A_292] : memref<8192x1024xf32, #tpu.memory_space<hbm>> -> memref<16x1024xf32, #tpu.memory_space<hbm>>
    %dma_start3A_294 = arith.constant 0 : i32
    %dma_start3A_295 = tpu.memref_slice %arg4[%add3A_291, %dma_start3A_294] : memref<8192x1024xf32, #tpu.memory_space<hbm>> -> memref<16x1024xf32, #tpu.memory_space<hbm>>
    tpu.enqueue_dma source(%arg10 : memref<16x1024xf32, #tpu.memory_space<vmem>>) target(%dma_start3A_295 : memref<16x1024xf32, #tpu.memory_space<hbm>>) target_semaphore(%arg22 : memref<!tpu.dma_semaphore, #tpu.memory_space<semaphore_mem>>)
    %dma_wait3A_296 = arith.constant 11 : i32
    %dma_wait3A_297 = arith.constant 0 : i32
    %dma_wait3A_298 = tpu.memref_slice %arg5[%dma_wait3A_296, %dma_wait3A_297] : memref<16x16xi32, #tpu.memory_space<vmem>> -> memref<1x16xi32, #tpu.memory_space<vmem>>
    %dma_wait3A_299 = tpu.memref_squeeze %dma_wait3A_298 : memref<1x16xi32, #tpu.memory_space<vmem>> -> memref<16xi32, #tpu.memory_space<vmem>>
    %dma_wait3A_300 = arith.constant 0 : i32
    %dma_wait3A_301 = arith.constant 0 : i32
    %dma_wait3A_302 = tpu.memref_slice %arg2[%dma_wait3A_300, %dma_wait3A_301] : memref<8192x1024xf32, #tpu.memory_space<hbm>> -> memref<8192x1024xf32, #tpu.memory_space<hbm>>
    tpu.wait_indirect_dma semaphore(%arg17 : memref<!tpu.dma_semaphore, #tpu.memory_space<semaphore_mem>>) src(%dma_wait3A_302 : memref<8192x1024xf32, #tpu.memory_space<hbm>>) dst(%arg11 : memref<16x1024xf32, #tpu.memory_space<vmem>>)
    %add3A_303 = arith.constant 176 : i32
    %add3A_304 = arith.addi %mul3A_2, %add3A_303 : i32
    %dma_start3A_305 = arith.constant 0 : i32
    %dma_start3A_306 = tpu.memref_slice %arg4[%add3A_304, %dma_start3A_305] : memref<8192x1024xf32, #tpu.memory_space<hbm>> -> memref<16x1024xf32, #tpu.memory_space<hbm>>
    %dma_start3A_307 = arith.constant 0 : i32
    %dma_start3A_308 = tpu.memref_slice %arg4[%add3A_304, %dma_start3A_307] : memref<8192x1024xf32, #tpu.memory_space<hbm>> -> memref<16x1024xf32, #tpu.memory_space<hbm>>
    tpu.enqueue_dma source(%arg11 : memref<16x1024xf32, #tpu.memory_space<vmem>>) target(%dma_start3A_308 : memref<16x1024xf32, #tpu.memory_space<hbm>>) target_semaphore(%arg23 : memref<!tpu.dma_semaphore, #tpu.memory_space<semaphore_mem>>)
    %dma_wait3A_309 = arith.constant 12 : i32
    %dma_wait3A_310 = arith.constant 0 : i32
    %dma_wait3A_311 = tpu.memref_slice %arg5[%dma_wait3A_309, %dma_wait3A_310] : memref<16x16xi32, #tpu.memory_space<vmem>> -> memref<1x16xi32, #tpu.memory_space<vmem>>
    %dma_wait3A_312 = tpu.memref_squeeze %dma_wait3A_311 : memref<1x16xi32, #tpu.memory_space<vmem>> -> memref<16xi32, #tpu.memory_space<vmem>>
    %dma_wait3A_313 = arith.constant 0 : i32
    %dma_wait3A_314 = arith.constant 0 : i32
    %dma_wait3A_315 = tpu.memref_slice %arg2[%dma_wait3A_313, %dma_wait3A_314] : memref<8192x1024xf32, #tpu.memory_space<hbm>> -> memref<8192x1024xf32, #tpu.memory_space<hbm>>
    tpu.wait_indirect_dma semaphore(%arg12 : memref<!tpu.dma_semaphore, #tpu.memory_space<semaphore_mem>>) src(%dma_wait3A_315 : memref<8192x1024xf32, #tpu.memory_space<hbm>>) dst(%arg6 : memref<16x1024xf32, #tpu.memory_space<vmem>>)
    %add3A_316 = arith.constant 192 : i32
    %add3A_317 = arith.addi %mul3A_2, %add3A_316 : i32
    %dma_start3A_318 = arith.constant 0 : i32
    %dma_start3A_319 = tpu.memref_slice %arg4[%add3A_317, %dma_start3A_318] : memref<8192x1024xf32, #tpu.memory_space<hbm>> -> memref<16x1024xf32, #tpu.memory_space<hbm>>
    %dma_start3A_320 = arith.constant 0 : i32
    %dma_start3A_321 = tpu.memref_slice %arg4[%add3A_317, %dma_start3A_320] : memref<8192x1024xf32, #tpu.memory_space<hbm>> -> memref<16x1024xf32, #tpu.memory_space<hbm>>
    tpu.enqueue_dma source(%arg6 : memref<16x1024xf32, #tpu.memory_space<vmem>>) target(%dma_start3A_321 : memref<16x1024xf32, #tpu.memory_space<hbm>>) target_semaphore(%arg18 : memref<!tpu.dma_semaphore, #tpu.memory_space<semaphore_mem>>)
    %dma_wait3A_322 = arith.constant 13 : i32
    %dma_wait3A_323 = arith.constant 0 : i32
    %dma_wait3A_324 = tpu.memref_slice %arg5[%dma_wait3A_322, %dma_wait3A_323] : memref<16x16xi32, #tpu.memory_space<vmem>> -> memref<1x16xi32, #tpu.memory_space<vmem>>
    %dma_wait3A_325 = tpu.memref_squeeze %dma_wait3A_324 : memref<1x16xi32, #tpu.memory_space<vmem>> -> memref<16xi32, #tpu.memory_space<vmem>>
    %dma_wait3A_326 = arith.constant 0 : i32
    %dma_wait3A_327 = arith.constant 0 : i32
    %dma_wait3A_328 = tpu.memref_slice %arg2[%dma_wait3A_326, %dma_wait3A_327] : memref<8192x1024xf32, #tpu.memory_space<hbm>> -> memref<8192x1024xf32, #tpu.memory_space<hbm>>
    tpu.wait_indirect_dma semaphore(%arg13 : memref<!tpu.dma_semaphore, #tpu.memory_space<semaphore_mem>>) src(%dma_wait3A_328 : memref<8192x1024xf32, #tpu.memory_space<hbm>>) dst(%arg7 : memref<16x1024xf32, #tpu.memory_space<vmem>>)
    %add3A_329 = arith.constant 208 : i32
    %add3A_330 = arith.addi %mul3A_2, %add3A_329 : i32
    %dma_start3A_331 = arith.constant 0 : i32
    %dma_start3A_332 = tpu.memref_slice %arg4[%add3A_330, %dma_start3A_331] : memref<8192x1024xf32, #tpu.memory_space<hbm>> -> memref<16x1024xf32, #tpu.memory_space<hbm>>
    %dma_start3A_333 = arith.constant 0 : i32
    %dma_start3A_334 = tpu.memref_slice %arg4[%add3A_330, %dma_start3A_333] : memref<8192x1024xf32, #tpu.memory_space<hbm>> -> memref<16x1024xf32, #tpu.memory_space<hbm>>
    tpu.enqueue_dma source(%arg7 : memref<16x1024xf32, #tpu.memory_space<vmem>>) target(%dma_start3A_334 : memref<16x1024xf32, #tpu.memory_space<hbm>>) target_semaphore(%arg19 : memref<!tpu.dma_semaphore, #tpu.memory_space<semaphore_mem>>)
    %dma_wait3A_335 = arith.constant 14 : i32
    %dma_wait3A_336 = arith.constant 0 : i32
    %dma_wait3A_337 = tpu.memref_slice %arg5[%dma_wait3A_335, %dma_wait3A_336] : memref<16x16xi32, #tpu.memory_space<vmem>> -> memref<1x16xi32, #tpu.memory_space<vmem>>
    %dma_wait3A_338 = tpu.memref_squeeze %dma_wait3A_337 : memref<1x16xi32, #tpu.memory_space<vmem>> -> memref<16xi32, #tpu.memory_space<vmem>>
    %dma_wait3A_339 = arith.constant 0 : i32
    %dma_wait3A_340 = arith.constant 0 : i32
    %dma_wait3A_341 = tpu.memref_slice %arg2[%dma_wait3A_339, %dma_wait3A_340] : memref<8192x1024xf32, #tpu.memory_space<hbm>> -> memref<8192x1024xf32, #tpu.memory_space<hbm>>
    tpu.wait_indirect_dma semaphore(%arg14 : memref<!tpu.dma_semaphore, #tpu.memory_space<semaphore_mem>>) src(%dma_wait3A_341 : memref<8192x1024xf32, #tpu.memory_space<hbm>>) dst(%arg8 : memref<16x1024xf32, #tpu.memory_space<vmem>>)
    %add3A_342 = arith.constant 224 : i32
    %add3A_343 = arith.addi %mul3A_2, %add3A_342 : i32
    %dma_start3A_344 = arith.constant 0 : i32
    %dma_start3A_345 = tpu.memref_slice %arg4[%add3A_343, %dma_start3A_344] : memref<8192x1024xf32, #tpu.memory_space<hbm>> -> memref<16x1024xf32, #tpu.memory_space<hbm>>
    %dma_start3A_346 = arith.constant 0 : i32
    %dma_start3A_347 = tpu.memref_slice %arg4[%add3A_343, %dma_start3A_346] : memref<8192x1024xf32, #tpu.memory_space<hbm>> -> memref<16x1024xf32, #tpu.memory_space<hbm>>
    tpu.enqueue_dma source(%arg8 : memref<16x1024xf32, #tpu.memory_space<vmem>>) target(%dma_start3A_347 : memref<16x1024xf32, #tpu.memory_space<hbm>>) target_semaphore(%arg20 : memref<!tpu.dma_semaphore, #tpu.memory_space<semaphore_mem>>)
    %dma_wait3A_348 = arith.constant 15 : i32
    %dma_wait3A_349 = arith.constant 0 : i32
    %dma_wait3A_350 = tpu.memref_slice %arg5[%dma_wait3A_348, %dma_wait3A_349] : memref<16x16xi32, #tpu.memory_space<vmem>> -> memref<1x16xi32, #tpu.memory_space<vmem>>
    %dma_wait3A_351 = tpu.memref_squeeze %dma_wait3A_350 : memref<1x16xi32, #tpu.memory_space<vmem>> -> memref<16xi32, #tpu.memory_space<vmem>>
    %dma_wait3A_352 = arith.constant 0 : i32
    %dma_wait3A_353 = arith.constant 0 : i32
    %dma_wait3A_354 = tpu.memref_slice %arg2[%dma_wait3A_352, %dma_wait3A_353] : memref<8192x1024xf32, #tpu.memory_space<hbm>> -> memref<8192x1024xf32, #tpu.memory_space<hbm>>
    tpu.wait_indirect_dma semaphore(%arg15 : memref<!tpu.dma_semaphore, #tpu.memory_space<semaphore_mem>>) src(%dma_wait3A_354 : memref<8192x1024xf32, #tpu.memory_space<hbm>>) dst(%arg9 : memref<16x1024xf32, #tpu.memory_space<vmem>>)
    %add3A_355 = arith.constant 240 : i32
    %add3A_356 = arith.addi %mul3A_2, %add3A_355 : i32
    %dma_start3A_357 = arith.constant 0 : i32
    %dma_start3A_358 = tpu.memref_slice %arg4[%add3A_356, %dma_start3A_357] : memref<8192x1024xf32, #tpu.memory_space<hbm>> -> memref<16x1024xf32, #tpu.memory_space<hbm>>
    %dma_start3A_359 = arith.constant 0 : i32
    %dma_start3A_360 = tpu.memref_slice %arg4[%add3A_356, %dma_start3A_359] : memref<8192x1024xf32, #tpu.memory_space<hbm>> -> memref<16x1024xf32, #tpu.memory_space<hbm>>
    tpu.enqueue_dma source(%arg9 : memref<16x1024xf32, #tpu.memory_space<vmem>>) target(%dma_start3A_360 : memref<16x1024xf32, #tpu.memory_space<hbm>>) target_semaphore(%arg21 : memref<!tpu.dma_semaphore, #tpu.memory_space<semaphore_mem>>)
    %dma_wait3A_361 = arith.constant 0 : i32
    %dma_wait3A_362 = tpu.memref_slice %arg4[%add3A_317, %dma_wait3A_361] : memref<8192x1024xf32, #tpu.memory_space<hbm>> -> memref<16x1024xf32, #tpu.memory_space<hbm>>
    %dma_wait3A_363 = arith.constant 0 : i32
    %dma_wait3A_364 = tpu.memref_slice %arg4[%add3A_317, %dma_wait3A_363] : memref<8192x1024xf32, #tpu.memory_space<hbm>> -> memref<16x1024xf32, #tpu.memory_space<hbm>>
    tpu.wait_dma2 semaphore(%arg18 : memref<!tpu.dma_semaphore, #tpu.memory_space<semaphore_mem>>) src(%arg6 : memref<16x1024xf32, #tpu.memory_space<vmem>>) dst(%dma_wait3A_364 : memref<16x1024xf32, #tpu.memory_space<hbm>>)
    %dma_wait3A_365 = arith.constant 0 : i32
    %dma_wait3A_366 = tpu.memref_slice %arg4[%add3A_330, %dma_wait3A_365] : memref<8192x1024xf32, #tpu.memory_space<hbm>> -> memref<16x1024xf32, #tpu.memory_space<hbm>>
    %dma_wait3A_367 = arith.constant 0 : i32
    %dma_wait3A_368 = tpu.memref_slice %arg4[%add3A_330, %dma_wait3A_367] : memref<8192x1024xf32, #tpu.memory_space<hbm>> -> memref<16x1024xf32, #tpu.memory_space<hbm>>
    tpu.wait_dma2 semaphore(%arg19 : memref<!tpu.dma_semaphore, #tpu.memory_space<semaphore_mem>>) src(%arg7 : memref<16x1024xf32, #tpu.memory_space<vmem>>) dst(%dma_wait3A_368 : memref<16x1024xf32, #tpu.memory_space<hbm>>)
    %dma_wait3A_369 = arith.constant 0 : i32
    %dma_wait3A_370 = tpu.memref_slice %arg4[%add3A_343, %dma_wait3A_369] : memref<8192x1024xf32, #tpu.memory_space<hbm>> -> memref<16x1024xf32, #tpu.memory_space<hbm>>
    %dma_wait3A_371 = arith.constant 0 : i32
    %dma_wait3A_372 = tpu.memref_slice %arg4[%add3A_343, %dma_wait3A_371] : memref<8192x1024xf32, #tpu.memory_space<hbm>> -> memref<16x1024xf32, #tpu.memory_space<hbm>>
    tpu.wait_dma2 semaphore(%arg20 : memref<!tpu.dma_semaphore, #tpu.memory_space<semaphore_mem>>) src(%arg8 : memref<16x1024xf32, #tpu.memory_space<vmem>>) dst(%dma_wait3A_372 : memref<16x1024xf32, #tpu.memory_space<hbm>>)
    %dma_wait3A_373 = arith.constant 0 : i32
    %dma_wait3A_374 = tpu.memref_slice %arg4[%add3A_356, %dma_wait3A_373] : memref<8192x1024xf32, #tpu.memory_space<hbm>> -> memref<16x1024xf32, #tpu.memory_space<hbm>>
    %dma_wait3A_375 = arith.constant 0 : i32
    %dma_wait3A_376 = tpu.memref_slice %arg4[%add3A_356, %dma_wait3A_375] : memref<8192x1024xf32, #tpu.memory_space<hbm>> -> memref<16x1024xf32, #tpu.memory_space<hbm>>
    tpu.wait_dma2 semaphore(%arg21 : memref<!tpu.dma_semaphore, #tpu.memory_space<semaphore_mem>>) src(%arg9 : memref<16x1024xf32, #tpu.memory_space<vmem>>) dst(%dma_wait3A_376 : memref<16x1024xf32, #tpu.memory_space<hbm>>)
    %dma_wait3A_377 = arith.constant 0 : i32
    %dma_wait3A_378 = tpu.memref_slice %arg4[%add3A_291, %dma_wait3A_377] : memref<8192x1024xf32, #tpu.memory_space<hbm>> -> memref<16x1024xf32, #tpu.memory_space<hbm>>
    %dma_wait3A_379 = arith.constant 0 : i32
    %dma_wait3A_380 = tpu.memref_slice %arg4[%add3A_291, %dma_wait3A_379] : memref<8192x1024xf32, #tpu.memory_space<hbm>> -> memref<16x1024xf32, #tpu.memory_space<hbm>>
    tpu.wait_dma2 semaphore(%arg22 : memref<!tpu.dma_semaphore, #tpu.memory_space<semaphore_mem>>) src(%arg10 : memref<16x1024xf32, #tpu.memory_space<vmem>>) dst(%dma_wait3A_380 : memref<16x1024xf32, #tpu.memory_space<hbm>>)
    %dma_wait3A_381 = arith.constant 0 : i32
    %dma_wait3A_382 = tpu.memref_slice %arg4[%add3A_304, %dma_wait3A_381] : memref<8192x1024xf32, #tpu.memory_space<hbm>> -> memref<16x1024xf32, #tpu.memory_space<hbm>>
    %dma_wait3A_383 = arith.constant 0 : i32
    %dma_wait3A_384 = tpu.memref_slice %arg4[%add3A_304, %dma_wait3A_383] : memref<8192x1024xf32, #tpu.memory_space<hbm>> -> memref<16x1024xf32, #tpu.memory_space<hbm>>
    tpu.wait_dma2 semaphore(%arg23 : memref<!tpu.dma_semaphore, #tpu.memory_space<semaphore_mem>>) src(%arg11 : memref<16x1024xf32, #tpu.memory_space<vmem>>) dst(%dma_wait3A_384 : memref<16x1024xf32, #tpu.memory_space<hbm>>)
    return
  }
}

</mosaic_0001>

<sc_bundles>
// kernel: _gather.3.cloned.1.call-start
scs
__scs_entry_jumppad:
0x0: {  	(pc) =	sbr.rel $0x88, $3  }
0x1: {  	(tag) =	ssettag $0x0;
	lr =	simm.s32 $0x1  }
0x2: {  	[smem:$0x3F9F] =	sst lr;
	_ =	strace $0xD0000000  }
0x3: {  	_ = 	snop  }
0x4: {  	_ = 	snop  }
0x5: {  	_ = 	snop  }
0x6: {  	_ = 	snop  }
0x7: {  	_ = 	snop  }
__scs_overlays_trampoline_lowered:
0x8: {  	[smem:$0x3FAE] =	sst s0  }
0x9: {  	[smem:$0x3FAF] =	sst s1  }
0xa: {  	[smem:$0x3FB0] =	sst s2  }
0xb: {  	[smem:$0x3FB1] =	sst s3  }
0xc: {  	[smem:$0x3FB2] =	sst s4  }
0xd: {  	[smem:$0x3FB3] =	sst s5  }
0xe: {  	[smem:$0x3FB4] =	sst s6  }
0xf: {  	[smem:$0x3FB5] =	sst s7  }
0x10: {  	[smem:$0x3FB6] =	sst s8  }
0x11: {  	[smem:$0x3FB7] =	sst s9;
	s0 =	simm.s32 @!p0 $0x0  }
0x12: {  	s1 =	sld [smem:$0x3F9D];
	s0 =	simm.s32 @p0 $0x1  }
0x13: {  	[smem:$0x3FB8] =	sst s0;
	s0 =	simm.s32 @!p1 $0x0  }
0x14: {  	s2 =	sld [smem:$0x3F9C];
	s0 =	simm.s32 @p1 $0x1  }
0x15: {  	[smem:$0x3FB9] =	sst s0;
	s0 =	simm.s32 @!p2 $0x0  }
0x16: {  	s3 =	sld [smem:$0x3FDB];
	s0 =	simm.s32 @p2 $0x1  }
0x17: {  	s4 =	simm.s32 $0x1BF5;
	[smem:$0x3FBB] =	sst s0  }
0x18: {  	s0 =	sld [smem:$0x3F9E];
	_ =	swait.ge [sflag:s4], $0x0  }
0x19: {  	s7 =	sld [smem:$0x3F9F]  }
0x1a: {  	s8 =	sadd.s32 $0xFFFFE003, lr  }
0x1b: {  	s9 =	sadd.s32 $0xFFFFFEF7, lr;
	s5 =	simm.s32 $0xFFFFFFFF;
	p2 =	slt.u32 s8, $0xFFFFF086  }
0x1c: {  	p1 =	slt.u32 s9, $0xF7A;
	s5 =	simm.s32 @!p2 $0x0  }
0x1d: {  	s5 =	simm.s32 @p1 $0x1;
	p0 =	seq.s32 s7, s2  }
0x1e: {  	s7 =	smul.u32 @!p0 $0xF7A, s2;
	p2 =	seq.s32 @!p0 s5, $0x0  }
0x1f: {  	s9 =	smul.u32 $0xF7A, s1;
	s8 =	simm.s32 @!p0 $0x1BF5;
	p2 =	por !p2, p0  }
0x20: {  	[sflag:s8] =	ssyncset.s32 @!p0 $0xFFFFF086;
	s6 =	sadd.s32 @!p0 s3, s7;
	s7 =	simm.s32 @!p0 $0x108  }
0x21: {  	s3 =	sadd.s32 s3, s9;
	s6 =	sadd.s32 @!p0 $0x88, s6;
	s7 =	simm.s32 @p2 $0x1082  }
0x22: {  	[simem:s7], [sflag:s8] =	dma.local @!p0 [hbm:s6], $0xF7A  }
0x23: {  	s9 =	sor.u32 $0xD0000000, s2;
	s6 =	simm.s32 $0x108;
	_ =	swait.ge @!p0 [sflag:s8], $0x0  }
0x24: {  	s3 =	sadd.s32 $0x88, s3;
	s6 =	simm.s32 @!p1 $0x1082;
	[sflag:s4] =	ssyncset.s32 $0xFFFFF086  }
0x25: {  	[simem:s6], [sflag:s4] =	dma.local [hbm:s3], $0xF7A  }
0x26: {  	[smem:$0x3F9F] =	sst s1;
	(tag) =	ssettag s2;
	_ =	strace s9  }
0x27: {  	s1 =	sld [smem:$0x3FAF]  }
0x28: {  	s2 =	sld [smem:$0x3FB0]  }
0x29: {  	s4 =	sld [smem:$0x3FB2]  }
0x2a: {  	p0 =	seq.s32 s5, $0x0;
	s5 =	sld [smem:$0x3FB3]  }
0x2b: {  	s6 =	sld [smem:$0x3FB4]  }
0x2c: {  	s7 =	sld [smem:$0x3FB5]  }
0x2d: {  	s3 =	simm.s32 $0x108;
	s8 =	sld [smem:$0x3FB6]  }
0x2e: {  	s3 =	simm.s32 @!p0 $0x1082;
	s9 =	sld [smem:$0x3FB7]  }
0x2f: {  	lr =	sadd.s32 s0, s3;
	s0 =	sld [smem:$0x3FAE]  }
0x30: {  	s3 =	sld [smem:$0x3FB1]  }
0x31: {  	[smem:$0x3FBA] =	sst s10  }
0x32: {  	s10 =	sld [smem:$0x3FB8];
	_ =	sdelay $0x3  }
0x33: {  	p0 =	seq.s32 s10, $0x1;
	s10 =	sld [smem:$0x3FBA];
	_ =	sdelay $0x3  }
0x34: {  	[smem:$0x3FBA] =	sst s10  }
0x35: {  	s10 =	sld [smem:$0x3FB9];
	_ =	sdelay $0x3  }
0x36: {  	p1 =	seq.s32 s10, $0x1;
	s10 =	sld [smem:$0x3FBA];
	_ =	sdelay $0x3  }
0x37: {  	[smem:$0x3FBA] =	sst s10  }
0x38: {  	s10 =	sld [smem:$0x3FBB]  }
0x39: {  	_ = 	snop;
	(pc) =	sbr.ind lr, $3  }
0x3a: {  	_ = 	snop  }
0x3b: {  	_ = 	snop  }
0x3c: {  	p2 =	seq.s32 s10, $0x1;
	s10 =	sld [smem:$0x3FBA]  }
0x3d: {  	_ =	shalt  }
0x3e: {  	_ =	shalt  }
0x3f: {  	_ =	shalt  }
0x40: {  	_ =	shalt  }
0x41: {  	_ =	shalt  }
0x42: {  	_ =	shalt  }
0x43: {  	_ =	shalt  }
0x44: {  	_ =	shalt  }
0x45: {  	_ =	shalt  }
0x46: {  	_ =	shalt  }
0x47: {  	_ =	shalt  }
0x48: {  	_ =	shalt  }
0x49: {  	_ =	shalt  }
0x4a: {  	_ =	shalt  }
0x4b: {  	_ =	shalt  }
0x4c: {  	_ =	shalt  }
0x4d: {  	_ =	shalt  }
0x4e: {  	_ =	shalt  }
0x4f: {  	_ =	shalt  }
0x50: {  	_ =	shalt  }
0x51: {  	_ =	shalt  }
0x52: {  	_ =	shalt  }
0x53: {  	_ =	shalt  }
0x54: {  	_ =	shalt  }
0x55: {  	_ =	shalt  }
0x56: {  	_ =	shalt  }
0x57: {  	_ =	shalt  }
0x58: {  	_ =	shalt  }
0x59: {  	_ =	shalt  }
0x5a: {  	_ =	shalt  }
0x5b: {  	_ =	shalt  }
0x5c: {  	_ =	shalt  }
0x5d: {  	_ =	shalt  }
0x5e: {  	_ =	shalt  }
0x5f: {  	_ =	shalt  }
0x60: {  	_ =	shalt  }
0x61: {  	_ =	shalt  }
0x62: {  	_ =	shalt  }
0x63: {  	_ =	shalt  }
0x64: {  	_ =	shalt  }
0x65: {  	_ =	shalt  }
0x66: {  	_ =	shalt  }
0x67: {  	_ =	shalt  }
0x68: {  	_ =	shalt  }
0x69: {  	_ =	shalt  }
0x6a: {  	_ =	shalt  }
0x6b: {  	_ =	shalt  }
0x6c: {  	_ =	shalt  }
0x6d: {  	_ =	shalt  }
0x6e: {  	_ =	shalt  }
0x6f: {  	_ =	shalt  }
0x70: {  	_ =	shalt  }
0x71: {  	_ =	shalt  }
0x72: {  	_ =	shalt  }
0x73: {  	_ =	shalt  }
0x74: {  	_ =	shalt  }
0x75: {  	_ =	shalt  }
0x76: {  	_ =	shalt  }
0x77: {  	_ =	shalt  }
0x78: {  	_ =	shalt  }
0x79: {  	_ =	shalt  }
0x7a: {  	_ =	shalt  }
0x7b: {  	_ =	shalt  }
0x7c: {  	_ =	shalt  }
0x7d: {  	_ =	shalt  }
0x7e: {  	_ =	shalt  }
0x7f: {  	_ =	shalt  }
0x80: {  	_ =	shalt  }
0x81: {  	_ =	shalt  }
0x82: {  	_ =	shalt  }
0x83: {  	_ =	shalt  }
0x84: {  	_ =	shalt  }
0x85: {  	_ =	shalt  }
0x86: {  	_ =	shalt  }
0x87: {  	_ =	shalt  }
.Lfunc_end0:
.L_simem_size_0:
called_computation_lowered:
.L_overlay_start_0:
0x88: {  	s2 =	sld [smem:$0x3FD9]  }
0x89: {  	s3 =	sld [smem:$0x3FFE];
	_ =	sdelay $0x1  }
0x8a: {  	s1 =	srdreg.scid  }
0x8b: {  	s0 =	sand.u32 $0x1, s1  }
0x8c: {  	s17 =	sshll.u32 s0, $0xA;
	s2 =	sadd.s32 s3, s2  }
0x8d: {  	s2 =	sadd.s32 s2, s17  }
0x8e: {  	[smem:$0x3FC6] =	sst s2  }
0x8f: {  	_ = 	snop  }
0x90: {  	s2 =	sld [smem:$0x3FC8]  }
0x91: {  	s18 =	sld [smem:$0x3FD0];
	(tm) =	ssettm $0x1  }
0x92: {  	s4 =	sld [smem:$0x3FFB];
	_ =	sdelay $0x3  }
0x93: {  	_ =	strace s4  }
0x94: {  	s4 =	sld [smem:$0x3FFC];
	_ =	sdelay $0x3  }
0x95: {  	_ =	strace s4  }
0x96: {  	s4 =	sld [smem:$0x3FFD];
	_ =	sdelay $0x3  }
0x97: {  	_ =	strace s4  }
0x98: {  	_ =	strace $0x8FFFFFFF  }
0x99: {  	s19 =	sld [smem:$0x3FDB];
	_ =	sdelay $0x1  }
0x9a: {  	s5 =	simm.s32 $_scs_section_size  }
0x9b: {  	s6 =	simm.s32 $_size__tile_overlayer_lowered;
	s7 =	simm.s32 $_tile_overlayer_lowered  }
0x9c: {  	s22 =	simm.s32 $0x1BFF;
	s21 =	sshll.u32 s7, $0x1;
	s4 =	sadd.s32 s5, s19  }
0x9d: {  	s8 =	simm.s32 $0x0;
	s20 =	sshll.u32 s6, $0x1;
	s6 =	sadd.s32 s21, s4  }
0x9e: {  	[timem:s8], [sflag:s22] =	dma.local [hbm:s6], s20  }
0x9f: {  	_ =	swait.ge [sflag:s22], s20  }
0xa0: {  	s5 =	ssub.s32 $0x0, s20;
	[sflag:s22] =	ssyncset.done $0x0  }
0xa1: {  	[sflag:s22] =	ssyncadd.s32 s5;
	_ =	sdelay $0x1  }
0xa2: {  	s23 =	simm.s32 $0x1B8B  }
0xa3: {  	_ =	swait.ge [sflag:s23], $0x1  }
0xa4: {  	[sflag:s23] =	ssyncset.done $0x0  }
0xa5: {  	s25 =	simm.s32 $0x1B8E;
	s24 =	sld [smem:$0x3FFE];
	[sflag:s23] =	ssyncadd.s32 $0xFFFFFFFF  }
0xa6: {  	s26 =	simm.s32 $execute0_lowered;
	[smem:$0x3FD2] =	sst s25  }
0xa7: {  	s6 =	sshll.u32 s26, $0x1;
	_ =	strace $0x80000046;
	[dreg:$0x1] =	wrdreg $0xFFFFFFFF  }
0xa8: {  	s28 =	simm.s32 $_size_execute0_lowered;
	s4 =	sadd.s32 s4, s6;
	[dreg:$0x0] =	wrdreg $0x0  }
0xa9: {  	s6 =	sshll.u32 s28, $0x1;
	[dreg:$0x2] =	wrdreg s4  }
0xaa: {  	[dreg:$0x3] =	wrdreg s6  }
0xab: {  	[dreg:$0x4] =	wrdreg $0xC0  }
0xac: {  	_ =	task [dreg:s8], $0x5FFFF  }
0xad: {  	[dreg:$0x1] =	wrdreg $0xFFFFFFFF  }
0xae: {  	[dreg:$0x0] =	wrdreg $0x60  }
0xaf: {  	[dreg:$0x2] =	wrdreg s2  }
0xb0: {  	[dreg:$0x3] =	wrdreg s24  }
0xb1: {  	[dreg:$0x4] =	wrdreg s18  }
0xb2: {  	[dreg:$0x5] =	wrdreg $0x9  }
0xb3: {  	_ =	task.clear_ibuf [dreg:s8], $0x6FFFF;
	_ =	strace $0x90000046  }
0xb4: {  	s29 =	simm.s32 $0x9;
	_ =	strace $0x80000048  }
0xb5: {  	_ =	swait.ge [sflag:s29], $0x1  }
0xb6: {  	[sflag:s29] =	ssyncadd.s32 $0xFFFFFFFF  }
0xb7: {  	_ =	strace $0x90000048  }
0xb8: {  	_ =	sfence  }
0xb9: {  	s30 =	sld [smem:$0x0];
	_ =	sdelay $0x2  }
0xba: {  	s31 =	sshll.u32 s1, $0xD;
	s1 =	sshrl.u32 s1, $0x2  }
0xbb: {  	s3 =	sand.u32 $0x4000, s31;
	s1 =	sadd.s32 s1, s30  }
0xbc: {  	s0 =	sor.u32 s3, s0;
	s1 =	sshll.u32 s1, $0x11  }
0xbd: {  	s0 =	sor.u32 s1, s0  }
0xbe: {  	s0 =	sadd.s32 $0x8F2B, s0  }
0xbf: {  	[sflag:s0] =	ssyncadd.remote.s32 $0x1  }
0xc0: {  	_ =	sfence.sel $0xFFFF  }
0xc1: {  	[dreg:$0x0] =	wrdreg $0xFFFFFFFF;
	(pc) =	sbr.abs _section_cstart, $3  }
0xc2: {  	[dreg:$0x1] =	wrdreg $0xFFFFFFFF  }
0xc3: {  	_ =	task.clear_ibuf [dreg:s8], $0x2FFFF;
	_ =	strace $0x9FFFFFFF  }
0xc4: {  	(tm) =	ssettm $0x7FFFFFFF  }
0xc5: {  	_ =	shalt  }
tec
execute0_lowered:
.L_overlay_start_1:
0x0: {  	(tag) =	ssettag $0x1  }
0x1: {  	s1 =	rddreg [dreg:$0x0]  }
0x2: {  	s0 =	srdreg.scid;
	s3 =	stileid.u32  }
0x3: {  	s2 =	rddreg [dreg:$0x1];
	s0 =	sand.u32 $0x1, s0;
	s3 =	sshll.u32 s3, $0x1  }
0x4: {  	s4 =	rddreg [dreg:$0x2];
	s5 =	sor.u32 s0, s3  }
0x5: {  	s3 =	simm.s32 $0x0;
	s6 =	sshll.u32 s5, $0x8;
	s5 =	sshll.u32 s5, $0xF  }
0x6: {  	[smem:$0x7FF] =	sst s3;
	s2 =	sadd.s32 s6, s2;
	s8 =	sadd.s32 s4, s5  }
0x7: {  	_ =	strace $0x80000047;
	s2 =	sadd.s32 $0x400, s2;
	[dreg:$0x14] =	wrdreg s8  }
0x8: {  	s11 =	sadd.s32 $0x800, s8;
	[dreg:$0x4] =	wrdreg s2  }
0x9: {  	s12 =	sadd.s32 $0x1000, s8;
	[dreg:$0x5] =	wrdreg s11  }
0xa: {  	s13 =	sadd.s32 $0x1800, s8;
	[dreg:$0x6] =	wrdreg s12  }
0xb: {  	s14 =	sadd.s32 $0x2000, s8;
	[dreg:$0x7] =	wrdreg s13  }
0xc: {  	s28 =	simm.s32 $0x9;
	s15 =	sadd.s32 $0x2800, s8;
	[dreg:$0x8] =	wrdreg s14  }
0xd: {  	s29 =	simm.s32 $0x4;
	s16 =	sadd.s32 $0x3000, s8;
	[dreg:$0x9] =	wrdreg s15  }
0xe: {  	s30 =	simm.s32 $0xA;
	s17 =	sadd.s32 $0x3800, s8;
	[dreg:$0xa] =	wrdreg s16  }
0xf: {  	s31 =	simm.s32 $0x8800;
	s18 =	sadd.s32 $0x4000, s8;
	[dreg:$0xb] =	wrdreg s17  }
0x10: {  	s9 =	simm.s32 $0xC800;
	s19 =	sadd.s32 $0x4800, s8;
	[dreg:$0xc] =	wrdreg s18  }
0x11: {  	s7 =	sadd.s32 $0x300, s1;
	s20 =	sadd.s32 $0x5000, s8;
	[dreg:$0xd] =	wrdreg s19  }
0x12: {  	s0 =	ssub.s32 $0x2, s0;
	s22 =	sadd.s32 $0x5800, s8;
	[dreg:$0xe] =	wrdreg s20  }
0x13: {  	s21 =	sshrl.u32 s0, $0x1;
	s23 =	sadd.s32 $0x6000, s8;
	[dreg:$0xf] =	wrdreg s22  }
0x14: {  	s0 =	ssub.s32 s0, s21;
	s24 =	sadd.s32 $0x6800, s8;
	[dreg:$0x10] =	wrdreg s23  }
0x15: {  	s5 =	sadd.s32 $0x100, s1;
	s25 =	sadd.s32 $0x7000, s8;
	[dreg:$0x11] =	wrdreg s24  }
0x16: {  	s6 =	sadd.s32 $0x200, s1;
	s26 =	sadd.s32 $0x7800, s8;
	[dreg:$0x12] =	wrdreg s25  }
0x17: {  	s8 =	smax.u32 s0, $0x1;
	[dreg:$0x13] =	wrdreg s26;
	s16 =	simm.s32 $0x1  }
0x18: {  	s22 =	simm.s32 $0x7;
	s23 =	simm.s32 $0x2;
	s24 =	simm.s32 $0x8  }
0x19: {  	v2 =	vlaneseq.u32;
	s25 =	simm.s32 $0x3;
	s18 =	simm.s32 $0x800;
	s26 =	simm.s32 $0x4800  }
0x1a: {  	vm0 =	vmmov $0xffff;
	v1 =	vshrl.u32 v2, $0x3;
	s20 =	simm.s32 $0x11000;
	s15 =	simm.s32 $0x11800;
	s14 =	simm.s32 $0x12000  }
0x1b: {  	v0 =	vand.u32 $0x7, v2;
	v2 =	vor.u32 $0x8, v2;
	v1 =	vmul.u32 $0x8, v1;
	s13 =	simm.s32 $0x14000;
	s17 =	simm.s32 $0x16800;
	s19 =	simm.s32 $0x17000  }
.LBB2_1:
0x1c: {  	s11 =	rddreg [dreg:$0x4];
	s12 =	simm.s32 $0xD  }
0x1d: {  	[tilespmem:s3], [sflag:$0xD] =	stream.linear.gather [hbm4b:s11+s3], $0x800, $0x38;
	[tilespmem:$0x18800] =	vst v63  }
0x1e: {  	_ =	swait.ge [sflag:s12], $0x800  }
0x1f: {  	[sflag:s12] =	ssyncset.done $0x0  }
0x20: {  	[sflag:s12] =	ssyncadd.s32 $0xFFFFF800  }
0x21: {  	v3 =	vld [tilespmem:$0x0];
	_ =	sdelay $0x4  }
0x22: {  	v4 =	vshll.u32 v3, $0x3  }
0x23: {  	v3 =	vand.u32 $0x7, v3;
	v4 =	vand.u32 $0xFFFFFFC0, v4  }
0x24: {  	v3 =	vor.u32 v3, v4  }
0x25: {  	v4 =	vperm.xlane v3, v0;
	_ =	sdelay $0x1  }
0x26: {  	v4 =	vadd.s32 v1, v4;
	_ =	sdelay $0x4  }
0x27: {  	[tilespmem:s18], [sflag:$0x1] =	stream.indirect_vreg.gather [hbm4b:s1+s3], $0x80, v4, vm0, $0xb8;
	[tilespmem:$0x18800] =	vst v63  }
0x28: {  	s0 =	simm.s32 $0x1000;
	v3 =	vperm.xlane v3, v2  }
0x29: {  	[tilespmem:s0], [sflag:$0x1] =	stream.indirect_vreg.gather [hbm4b:s5+s3], $0x80, v4, vm0, $0xb8;
	[tilespmem:$0x18800] =	vst v63  }
0x2a: {  	s21 =	simm.s32 $0x1800;
	v3 =	vadd.s32 v1, v3  }
0x2b: {  	[tilespmem:s21], [sflag:$0x1] =	stream.indirect_vreg.gather [hbm4b:s6+s3], $0x80, v4, vm0, $0xb8;
	[tilespmem:$0x18800] =	vst v63  }
0x2c: {  	s4 =	simm.s32 $0x2000  }
0x2d: {  	[tilespmem:s4], [sflag:$0x1] =	stream.indirect_vreg.gather [hbm4b:s7+s3], $0x80, v4, vm0, $0xb8;
	[tilespmem:$0x18800] =	vst v63  }
0x2e: {  	s10 =	simm.s32 $0x2800  }
0x2f: {  	[tilespmem:s10], [sflag:$0x1] =	stream.indirect_vreg.gather [hbm4b:s1+s3], $0x80, v3, vm0, $0xb8;
	[tilespmem:$0x18800] =	vst v63  }
0x30: {  	s11 =	simm.s32 $0x3000  }
0x31: {  	[tilespmem:s11], [sflag:$0x1] =	stream.indirect_vreg.gather [hbm4b:s5+s3], $0x80, v3, vm0, $0xb8;
	[tilespmem:$0x18800] =	vst v63  }
0x32: {  	s12 =	simm.s32 $0x3800  }
0x33: {  	[tilespmem:s12], [sflag:$0x1] =	stream.indirect_vreg.gather [hbm4b:s6+s3], $0x80, v3, vm0, $0xb8;
	[tilespmem:$0x18800] =	vst v63  }
0x34: {  	s21 =	simm.s32 $0x4000  }
0x35: {  	[tilespmem:s21], [sflag:$0x1] =	stream.indirect_vreg.gather [hbm4b:s7+s3], $0x80, v3, vm0, $0xb8;
	[tilespmem:$0x18800] =	vst v63  }
0x36: {  	v3 =	vld [tilespmem:$0x80];
	_ =	sdelay $0x4  }
0x37: {  	v49 =	vshll.u32 v3, $0x3  }
0x38: {  	v3 =	vand.u32 $0x7, v3;
	v4 =	vand.u32 $0xFFFFFFC0, v49  }
0x39: {  	v3 =	vor.u32 v3, v4  }
0x3a: {  	v4 =	vperm.xlane v3, v0;
	_ =	sdelay $0x1  }
0x3b: {  	v4 =	vadd.s32 v1, v4;
	_ =	sdelay $0x4  }
0x3c: {  	[tilespmem:s26], [sflag:$0x2] =	stream.indirect_vreg.gather [hbm4b:s1+s3], $0x80, v4, vm0, $0xb8;
	[tilespmem:$0x18800] =	vst v63  }
0x3d: {  	s4 =	simm.s32 $0x5000;
	v3 =	vperm.xlane v3, v2  }
0x3e: {  	[tilespmem:s4], [sflag:$0x2] =	stream.indirect_vreg.gather [hbm4b:s5+s3], $0x80, v4, vm0, $0xb8;
	[tilespmem:$0x18800] =	vst v63  }
0x3f: {  	s10 =	simm.s32 $0x5800;
	v3 =	vadd.s32 v1, v3  }
0x40: {  	[tilespmem:s10], [sflag:$0x2] =	stream.indirect_vreg.gather [hbm4b:s6+s3], $0x80, v4, vm0, $0xb8;
	[tilespmem:$0x18800] =	vst v63  }
0x41: {  	s11 =	simm.s32 $0x6000  }
0x42: {  	[tilespmem:s11], [sflag:$0x2] =	stream.indirect_vreg.gather [hbm4b:s7+s3], $0x80, v4, vm0, $0xb8;
	[tilespmem:$0x18800] =	vst v63  }
0x43: {  	s12 =	simm.s32 $0x6800  }
0x44: {  	[tilespmem:s12], [sflag:$0x2] =	stream.indirect_vreg.gather [hbm4b:s1+s3], $0x80, v3, vm0, $0xb8;
	[tilespmem:$0x18800] =	vst v63  }
0x45: {  	s4 =	simm.s32 $0x7000  }
0x46: {  	[tilespmem:s4], [sflag:$0x2] =	stream.indirect_vreg.gather [hbm4b:s5+s3], $0x80, v3, vm0, $0xb8;
	[tilespmem:$0x18800] =	vst v63  }
0x47: {  	s10 =	simm.s32 $0x7800  }
0x48: {  	[tilespmem:s10], [sflag:$0x2] =	stream.indirect_vreg.gather [hbm4b:s6+s3], $0x80, v3, vm0, $0xb8;
	[tilespmem:$0x18800] =	vst v63  }
0x49: {  	s11 =	simm.s32 $0x8000  }
0x4a: {  	[tilespmem:s11], [sflag:$0x2] =	stream.indirect_vreg.gather [hbm4b:s7+s3], $0x80, v3, vm0, $0xb8;
	[tilespmem:$0x18800] =	vst v63  }
0x4b: {  	v3 =	vld [tilespmem:$0x100];
	_ =	sdelay $0x4  }
0x4c: {  	v50 =	vshll.u32 v3, $0x3  }
0x4d: {  	v3 =	vand.u32 $0x7, v3;
	v4 =	vand.u32 $0xFFFFFFC0, v50  }
0x4e: {  	v3 =	vor.u32 v3, v4  }
0x4f: {  	v4 =	vperm.xlane v3, v0;
	_ =	sdelay $0x1  }
0x50: {  	v4 =	vadd.s32 v1, v4;
	_ =	sdelay $0x4  }
0x51: {  	[tilespmem:s31], [sflag:$0x3] =	stream.indirect_vreg.gather [hbm4b:s1+s3], $0x80, v4, vm0, $0xb8;
	[tilespmem:$0x18800] =	vst v63  }
0x52: {  	s12 =	simm.s32 $0x9000;
	v3 =	vperm.xlane v3, v2  }
0x53: {  	[tilespmem:s12], [sflag:$0x3] =	stream.indirect_vreg.gather [hbm4b:s5+s3], $0x80, v4, vm0, $0xb8;
	[tilespmem:$0x18800] =	vst v63  }
0x54: {  	s4 =	simm.s32 $0x9800;
	v3 =	vadd.s32 v1, v3  }
0x55: {  	[tilespmem:s4], [sflag:$0x3] =	stream.indirect_vreg.gather [hbm4b:s6+s3], $0x80, v4, vm0, $0xb8;
	[tilespmem:$0x18800] =	vst v63  }
0x56: {  	s10 =	simm.s32 $0xA000  }
0x57: {  	[tilespmem:s10], [sflag:$0x3] =	stream.indirect_vreg.gather [hbm4b:s7+s3], $0x80, v4, vm0, $0xb8;
	[tilespmem:$0x18800] =	vst v63  }
0x58: {  	s11 =	simm.s32 $0xA800  }
0x59: {  	[tilespmem:s11], [sflag:$0x3] =	stream.indirect_vreg.gather [hbm4b:s1+s3], $0x80, v3, vm0, $0xb8;
	[tilespmem:$0x18800] =	vst v63  }
0x5a: {  	s12 =	simm.s32 $0xB000  }
0x5b: {  	[tilespmem:s12], [sflag:$0x3] =	stream.indirect_vreg.gather [hbm4b:s5+s3], $0x80, v3, vm0, $0xb8;
	[tilespmem:$0x18800] =	vst v63  }
0x5c: {  	s4 =	simm.s32 $0xB800  }
0x5d: {  	[tilespmem:s4], [sflag:$0x3] =	stream.indirect_vreg.gather [hbm4b:s6+s3], $0x80, v3, vm0, $0xb8;
	[tilespmem:$0x18800] =	vst v63  }
0x5e: {  	s10 =	simm.s32 $0xC000  }
0x5f: {  	[tilespmem:s10], [sflag:$0x3] =	stream.indirect_vreg.gather [hbm4b:s7+s3], $0x80, v3, vm0, $0xb8;
	[tilespmem:$0x18800] =	vst v63  }
0x60: {  	v3 =	vld [tilespmem:$0x180];
	_ =	sdelay $0x4  }
0x61: {  	v51 =	vshll.u32 v3, $0x3  }
0x62: {  	v3 =	vand.u32 $0x7, v3;
	v4 =	vand.u32 $0xFFFFFFC0, v51  }
0x63: {  	v3 =	vor.u32 v3, v4  }
0x64: {  	v4 =	vperm.xlane v3, v0;
	_ =	sdelay $0x1  }
0x65: {  	v4 =	vadd.s32 v1, v4;
	_ =	sdelay $0x4  }
0x66: {  	[tilespmem:s9], [sflag:$0x4] =	stream.indirect_vreg.gather [hbm4b:s1+s3], $0x80, v4, vm0, $0xb8;
	[tilespmem:$0x18800] =	vst v63  }
0x67: {  	s11 =	simm.s32 $0xD000;
	v3 =	vperm.xlane v3, v2  }
0x68: {  	[tilespmem:s11], [sflag:$0x4] =	stream.indirect_vreg.gather [hbm4b:s5+s3], $0x80, v4, vm0, $0xb8;
	[tilespmem:$0x18800] =	vst v63  }
0x69: {  	s12 =	simm.s32 $0xD800;
	v3 =	vadd.s32 v1, v3  }
0x6a: {  	[tilespmem:s12], [sflag:$0x4] =	stream.indirect_vreg.gather [hbm4b:s6+s3], $0x80, v4, vm0, $0xb8;
	[tilespmem:$0x18800] =	vst v63  }
0x6b: {  	s4 =	simm.s32 $0xE000  }
0x6c: {  	[tilespmem:s4], [sflag:$0x4] =	stream.indirect_vreg.gather [hbm4b:s7+s3], $0x80, v4, vm0, $0xb8;
	[tilespmem:$0x18800] =	vst v63  }
0x6d: {  	s10 =	simm.s32 $0xE800  }
0x6e: {  	[tilespmem:s10], [sflag:$0x4] =	stream.indirect_vreg.gather [hbm4b:s1+s3], $0x80, v3, vm0, $0xb8;
	[tilespmem:$0x18800] =	vst v63  }
0x6f: {  	s11 =	simm.s32 $0xF000  }
0x70: {  	[tilespmem:s11], [sflag:$0x4] =	stream.indirect_vreg.gather [hbm4b:s5+s3], $0x80, v3, vm0, $0xb8;
	[tilespmem:$0x18800] =	vst v63  }
0x71: {  	s12 =	simm.s32 $0xF800  }
0x72: {  	[tilespmem:s12], [sflag:$0x4] =	stream.indirect_vreg.gather [hbm4b:s6+s3], $0x80, v3, vm0, $0xb8;
	[tilespmem:$0x18800] =	vst v63  }
0x73: {  	s4 =	simm.s32 $0x10000  }
0x74: {  	[tilespmem:s4], [sflag:$0x4] =	stream.indirect_vreg.gather [hbm4b:s7+s3], $0x80, v3, vm0, $0xb8;
	[tilespmem:$0x18800] =	vst v63  }
0x75: {  	v3 =	vld [tilespmem:$0x200];
	_ =	sdelay $0x4  }
0x76: {  	v52 =	vshll.u32 v3, $0x3  }
0x77: {  	v3 =	vand.u32 $0x7, v3;
	v4 =	vand.u32 $0xFFFFFFC0, v52  }
0x78: {  	v3 =	vor.u32 v3, v4  }
0x79: {  	v4 =	vperm.xlane v3, v0;
	_ =	sdelay $0x1  }
0x7a: {  	v4 =	vadd.s32 v1, v4;
	_ =	sdelay $0x3  }
0x7b: {  	s10 =	simm.s32 $0x10800  }
0x7c: {  	[tilespmem:s10], [sflag:$0x5] =	stream.indirect_vreg.gather [hbm4b:s1+s3], $0x80, v4, vm0, $0xb8;
	[tilespmem:$0x18800] =	vst v63  }
0x7d: {  	v3 =	vperm.xlane v3, v2  }
0x7e: {  	[tilespmem:s20], [sflag:$0x5] =	stream.indirect_vreg.gather [hbm4b:s5+s3], $0x80, v4, vm0, $0xb8;
	[tilespmem:$0x18800] =	vst v63  }
0x7f: {  	v3 =	vadd.s32 v1, v3  }
0x80: {  	[tilespmem:s15], [sflag:$0x5] =	stream.indirect_vreg.gather [hbm4b:s6+s3], $0x80, v4, vm0, $0xb8;
	[tilespmem:$0x18800] =	vst v63  }
0x81: {  	_ = 	snop  }
0x82: {  	[tilespmem:s14], [sflag:$0x5] =	stream.indirect_vreg.gather [hbm4b:s7+s3], $0x80, v4, vm0, $0xb8;
	[tilespmem:$0x18800] =	vst v63  }
0x83: {  	s4 =	simm.s32 $0x12800  }
0x84: {  	[tilespmem:s4], [sflag:$0x5] =	stream.indirect_vreg.gather [hbm4b:s1+s3], $0x80, v3, vm0, $0xb8;
	[tilespmem:$0x18800] =	vst v63  }
0x85: {  	s10 =	simm.s32 $0x13000  }
0x86: {  	[tilespmem:s10], [sflag:$0x5] =	stream.indirect_vreg.gather [hbm4b:s5+s3], $0x80, v3, vm0, $0xb8;
	[tilespmem:$0x18800] =	vst v63  }
0x87: {  	s12 =	simm.s32 $0x13800  }
0x88: {  	[tilespmem:s12], [sflag:$0x5] =	stream.indirect_vreg.gather [hbm4b:s6+s3], $0x80, v3, vm0, $0xb8;
	[tilespmem:$0x18800] =	vst v63  }
0x89: {  	_ = 	snop  }
0x8a: {  	[tilespmem:s13], [sflag:$0x5] =	stream.indirect_vreg.gather [hbm4b:s7+s3], $0x80, v3, vm0, $0xb8;
	[tilespmem:$0x18800] =	vst v63  }
0x8b: {  	v3 =	vld [tilespmem:$0x280];
	_ =	sdelay $0x4  }
0x8c: {  	v53 =	vshll.u32 v3, $0x3  }
0x8d: {  	v3 =	vand.u32 $0x7, v3;
	v4 =	vand.u32 $0xFFFFFFC0, v53  }
0x8e: {  	v3 =	vor.u32 v3, v4  }
0x8f: {  	v4 =	vperm.xlane v3, v0;
	_ =	sdelay $0x1  }
0x90: {  	v4 =	vadd.s32 v1, v4;
	_ =	sdelay $0x3  }
0x91: {  	s11 =	simm.s32 $0x14800  }
0x92: {  	[tilespmem:s11], [sflag:$0x6] =	stream.indirect_vreg.gather [hbm4b:s1+s3], $0x80, v4, vm0, $0xb8;
	[tilespmem:$0x18800] =	vst v63  }
0x93: {  	v3 =	vperm.xlane v3, v2;
	s11 =	simm.s32 $0x15000  }
0x94: {  	[tilespmem:s11], [sflag:$0x6] =	stream.indirect_vreg.gather [hbm4b:s5+s3], $0x80, v4, vm0, $0xb8;
	[tilespmem:$0x18800] =	vst v63  }
0x95: {  	v3 =	vadd.s32 v1, v3;
	s11 =	simm.s32 $0x15800  }
0x96: {  	[tilespmem:s11], [sflag:$0x6] =	stream.indirect_vreg.gather [hbm4b:s6+s3], $0x80, v4, vm0, $0xb8;
	[tilespmem:$0x18800] =	vst v63  }
0x97: {  	s11 =	simm.s32 $0x16000  }
0x98: {  	[tilespmem:s11], [sflag:$0x6] =	stream.indirect_vreg.gather [hbm4b:s7+s3], $0x80, v4, vm0, $0xb8;
	[tilespmem:$0x18800] =	vst v63  }
0x99: {  	_ = 	snop  }
0x9a: {  	[tilespmem:s17], [sflag:$0x6] =	stream.indirect_vreg.gather [hbm4b:s1+s3], $0x80, v3, vm0, $0xb8;
	[tilespmem:$0x18800] =	vst v63  }
0x9b: {  	_ = 	snop  }
0x9c: {  	[tilespmem:s19], [sflag:$0x6] =	stream.indirect_vreg.gather [hbm4b:s5+s3], $0x80, v3, vm0, $0xb8;
	[tilespmem:$0x18800] =	vst v63  }
0x9d: {  	s11 =	simm.s32 $0x17800  }
0x9e: {  	[tilespmem:s11], [sflag:$0x6] =	stream.indirect_vreg.gather [hbm4b:s6+s3], $0x80, v3, vm0, $0xb8;
	[tilespmem:$0x18800] =	vst v63  }
0x9f: {  	s11 =	simm.s32 $0x18000  }
0xa0: {  	[tilespmem:s11], [sflag:$0x6] =	stream.indirect_vreg.gather [hbm4b:s7+s3], $0x80, v3, vm0, $0xb8;
	[tilespmem:$0x18800] =	vst v63  }
0xa1: {  	_ =	swait.ge [sflag:s16], $0x4000  }
0xa2: {  	[sflag:s16] =	ssyncset.done $0x0  }
0xa3: {  	s0 =	rddreg [dreg:$0x14];
	[sflag:s16] =	ssyncadd.s32 $0xFFFFC000  }
0xa4: {  	[hbm4b:s0+s3] =	stream.linear.scatter [tilespmem:s18], [sflag:$0x7], $0x4000, $0x38;
	[tilespmem:$0x18800] =	vst v63  }
0xa5: {  	_ =	swait.ge [sflag:s22], $0x4000  }
0xa6: {  	[sflag:s22] =	ssyncset.done $0x0  }
0xa7: {  	[sflag:s22] =	ssyncadd.s32 $0xFFFFC000  }
0xa8: {  	v3 =	vld [tilespmem:$0x300];
	_ =	sdelay $0x4  }
0xa9: {  	v54 =	vshll.u32 v3, $0x3  }
0xaa: {  	v3 =	vand.u32 $0x7, v3;
	v4 =	vand.u32 $0xFFFFFFC0, v54  }
0xab: {  	v3 =	vor.u32 v3, v4  }
0xac: {  	v4 =	vperm.xlane v3, v0;
	_ =	sdelay $0x1  }
0xad: {  	v4 =	vadd.s32 v1, v4;
	_ =	sdelay $0x4  }
0xae: {  	[tilespmem:s18], [sflag:$0x1] =	stream.indirect_vreg.gather [hbm4b:s1+s3], $0x80, v4, vm0, $0xb8;
	[tilespmem:$0x18800] =	vst v63  }
0xaf: {  	s2 =	simm.s32 $0x1000;
	v3 =	vperm.xlane v3, v2  }
0xb0: {  	[tilespmem:s2], [sflag:$0x1] =	stream.indirect_vreg.gather [hbm4b:s5+s3], $0x80, v4, vm0, $0xb8;
	[tilespmem:$0x18800] =	vst v63  }
0xb1: {  	s11 =	simm.s32 $0x1800;
	v3 =	vadd.s32 v1, v3  }
0xb2: {  	[tilespmem:s11], [sflag:$0x1] =	stream.indirect_vreg.gather [hbm4b:s6+s3], $0x80, v4, vm0, $0xb8;
	[tilespmem:$0x18800] =	vst v63  }
0xb3: {  	s2 =	simm.s32 $0x2000  }
0xb4: {  	[tilespmem:s2], [sflag:$0x1] =	stream.indirect_vreg.gather [hbm4b:s7+s3], $0x80, v4, vm0, $0xb8;
	[tilespmem:$0x18800] =	vst v63  }
0xb5: {  	s11 =	simm.s32 $0x2800  }
0xb6: {  	[tilespmem:s11], [sflag:$0x1] =	stream.indirect_vreg.gather [hbm4b:s1+s3], $0x80, v3, vm0, $0xb8;
	[tilespmem:$0x18800] =	vst v63  }
0xb7: {  	s2 =	simm.s32 $0x3000  }
0xb8: {  	[tilespmem:s2], [sflag:$0x1] =	stream.indirect_vreg.gather [hbm4b:s5+s3], $0x80, v3, vm0, $0xb8;
	[tilespmem:$0x18800] =	vst v63  }
0xb9: {  	s11 =	simm.s32 $0x3800  }
0xba: {  	[tilespmem:s11], [sflag:$0x1] =	stream.indirect_vreg.gather [hbm4b:s6+s3], $0x80, v3, vm0, $0xb8;
	[tilespmem:$0x18800] =	vst v63  }
0xbb: {  	s21 =	simm.s32 $0x4000  }
0xbc: {  	[tilespmem:s21], [sflag:$0x1] =	stream.indirect_vreg.gather [hbm4b:s7+s3], $0x80, v3, vm0, $0xb8;
	[tilespmem:$0x18800] =	vst v63  }
0xbd: {  	_ =	swait.ge [sflag:s23], $0x4000  }
0xbe: {  	[sflag:s23] =	ssyncset.done $0x0  }
0xbf: {  	s2 =	rddreg [dreg:$0x5];
	[sflag:s23] =	ssyncadd.s32 $0xFFFFC000  }
0xc0: {  	[hbm4b:s2+s3] =	stream.linear.scatter [tilespmem:s26], [sflag:$0x8], $0x4000, $0x38;
	[tilespmem:$0x18800] =	vst v63  }
0xc1: {  	_ =	swait.ge [sflag:s24], $0x4000  }
0xc2: {  	[sflag:s24] =	ssyncset.done $0x0  }
0xc3: {  	[sflag:s24] =	ssyncadd.s32 $0xFFFFC000  }
0xc4: {  	v3 =	vld [tilespmem:$0x380];
	_ =	sdelay $0x4  }
0xc5: {  	v55 =	vshll.u32 v3, $0x3  }
0xc6: {  	v3 =	vand.u32 $0x7, v3;
	v4 =	vand.u32 $0xFFFFFFC0, v55  }
0xc7: {  	v3 =	vor.u32 v3, v4  }
0xc8: {  	v4 =	vperm.xlane v3, v0;
	_ =	sdelay $0x1  }
0xc9: {  	v4 =	vadd.s32 v1, v4;
	_ =	sdelay $0x4  }
0xca: {  	[tilespmem:s26], [sflag:$0x2] =	stream.indirect_vreg.gather [hbm4b:s1+s3], $0x80, v4, vm0, $0xb8;
	[tilespmem:$0x18800] =	vst v63  }
0xcb: {  	s21 =	simm.s32 $0x5000;
	v3 =	vperm.xlane v3, v2  }
0xcc: {  	[tilespmem:s21], [sflag:$0x2] =	stream.indirect_vreg.gather [hbm4b:s5+s3], $0x80, v4, vm0, $0xb8;
	[tilespmem:$0x18800] =	vst v63  }
0xcd: {  	s2 =	simm.s32 $0x5800;
	v3 =	vadd.s32 v1, v3  }
0xce: {  	[tilespmem:s2], [sflag:$0x2] =	stream.indirect_vreg.gather [hbm4b:s6+s3], $0x80, v4, vm0, $0xb8;
	[tilespmem:$0x18800] =	vst v63  }
0xcf: {  	s11 =	simm.s32 $0x6000  }
0xd0: {  	[tilespmem:s11], [sflag:$0x2] =	stream.indirect_vreg.gather [hbm4b:s7+s3], $0x80, v4, vm0, $0xb8;
	[tilespmem:$0x18800] =	vst v63  }
0xd1: {  	s21 =	simm.s32 $0x6800  }
0xd2: {  	[tilespmem:s21], [sflag:$0x2] =	stream.indirect_vreg.gather [hbm4b:s1+s3], $0x80, v3, vm0, $0xb8;
	[tilespmem:$0x18800] =	vst v63  }
0xd3: {  	s2 =	simm.s32 $0x7000  }
0xd4: {  	[tilespmem:s2], [sflag:$0x2] =	stream.indirect_vreg.gather [hbm4b:s5+s3], $0x80, v3, vm0, $0xb8;
	[tilespmem:$0x18800] =	vst v63  }
0xd5: {  	s11 =	simm.s32 $0x7800  }
0xd6: {  	[tilespmem:s11], [sflag:$0x2] =	stream.indirect_vreg.gather [hbm4b:s6+s3], $0x80, v3, vm0, $0xb8;
	[tilespmem:$0x18800] =	vst v63  }
0xd7: {  	s21 =	simm.s32 $0x8000  }
0xd8: {  	[tilespmem:s21], [sflag:$0x2] =	stream.indirect_vreg.gather [hbm4b:s7+s3], $0x80, v3, vm0, $0xb8;
	[tilespmem:$0x18800] =	vst v63  }
0xd9: {  	_ =	swait.ge [sflag:s25], $0x4000  }
0xda: {  	[sflag:s25] =	ssyncset.done $0x0  }
0xdb: {  	s2 =	rddreg [dreg:$0x6];
	[sflag:s25] =	ssyncadd.s32 $0xFFFFC000  }
0xdc: {  	[hbm4b:s2+s3] =	stream.linear.scatter [tilespmem:s31], [sflag:$0x9], $0x4000, $0x38;
	[tilespmem:$0x18800] =	vst v63  }
0xdd: {  	_ =	swait.ge [sflag:s28], $0x4000  }
0xde: {  	[sflag:s28] =	ssyncset.done $0x0  }
0xdf: {  	[sflag:s28] =	ssyncadd.s32 $0xFFFFC000  }
0xe0: {  	v3 =	vld [tilespmem:$0x400];
	_ =	sdelay $0x4  }
0xe1: {  	v56 =	vshll.u32 v3, $0x3  }
0xe2: {  	v3 =	vand.u32 $0x7, v3;
	v4 =	vand.u32 $0xFFFFFFC0, v56  }
0xe3: {  	v3 =	vor.u32 v3, v4  }
0xe4: {  	v4 =	vperm.xlane v3, v0;
	_ =	sdelay $0x1  }
0xe5: {  	v4 =	vadd.s32 v1, v4;
	_ =	sdelay $0x4  }
0xe6: {  	[tilespmem:s31], [sflag:$0x3] =	stream.indirect_vreg.gather [hbm4b:s1+s3], $0x80, v4, vm0, $0xb8;
	[tilespmem:$0x18800] =	vst v63  }
0xe7: {  	s21 =	simm.s32 $0x9000;
	v3 =	vperm.xlane v3, v2  }
0xe8: {  	[tilespmem:s21], [sflag:$0x3] =	stream.indirect_vreg.gather [hbm4b:s5+s3], $0x80, v4, vm0, $0xb8;
	[tilespmem:$0x18800] =	vst v63  }
0xe9: {  	s2 =	simm.s32 $0x9800;
	v3 =	vadd.s32 v1, v3  }
0xea: {  	[tilespmem:s2], [sflag:$0x3] =	stream.indirect_vreg.gather [hbm4b:s6+s3], $0x80, v4, vm0, $0xb8;
	[tilespmem:$0x18800] =	vst v63  }
0xeb: {  	s11 =	simm.s32 $0xA000  }
0xec: {  	[tilespmem:s11], [sflag:$0x3] =	stream.indirect_vreg.gather [hbm4b:s7+s3], $0x80, v4, vm0, $0xb8;
	[tilespmem:$0x18800] =	vst v63  }
0xed: {  	s21 =	simm.s32 $0xA800  }
0xee: {  	[tilespmem:s21], [sflag:$0x3] =	stream.indirect_vreg.gather [hbm4b:s1+s3], $0x80, v3, vm0, $0xb8;
	[tilespmem:$0x18800] =	vst v63  }
0xef: {  	s2 =	simm.s32 $0xB000  }
0xf0: {  	[tilespmem:s2], [sflag:$0x3] =	stream.indirect_vreg.gather [hbm4b:s5+s3], $0x80, v3, vm0, $0xb8;
	[tilespmem:$0x18800] =	vst v63  }
0xf1: {  	s11 =	simm.s32 $0xB800  }
0xf2: {  	[tilespmem:s11], [sflag:$0x3] =	stream.indirect_vreg.gather [hbm4b:s6+s3], $0x80, v3, vm0, $0xb8;
	[tilespmem:$0x18800] =	vst v63  }
0xf3: {  	s21 =	simm.s32 $0xC000  }
0xf4: {  	[tilespmem:s21], [sflag:$0x3] =	stream.indirect_vreg.gather [hbm4b:s7+s3], $0x80, v3, vm0, $0xb8;
	[tilespmem:$0x18800] =	vst v63  }
0xf5: {  	_ =	swait.ge [sflag:s29], $0x4000  }
0xf6: {  	[sflag:s29] =	ssyncset.done $0x0  }
0xf7: {  	s2 =	rddreg [dreg:$0x7];
	[sflag:s29] =	ssyncadd.s32 $0xFFFFC000  }
0xf8: {  	[hbm4b:s2+s3] =	stream.linear.scatter [tilespmem:s9], [sflag:$0xA], $0x4000, $0x38;
	[tilespmem:$0x18800] =	vst v63  }
0xf9: {  	_ =	swait.ge [sflag:s30], $0x4000  }
0xfa: {  	[sflag:s30] =	ssyncset.done $0x0  }
0xfb: {  	[sflag:s30] =	ssyncadd.s32 $0xFFFFC000  }
0xfc: {  	v3 =	vld [tilespmem:$0x480];
	_ =	sdelay $0x4  }
0xfd: {  	v57 =	vshll.u32 v3, $0x3  }
0xfe: {  	v3 =	vand.u32 $0x7, v3;
	v4 =	vand.u32 $0xFFFFFFC0, v57  }
0xff: {  	v3 =	vor.u32 v3, v4  }
0x100: {  	v4 =	vperm.xlane v3, v0;
	_ =	sdelay $0x1  }
0x101: {  	v4 =	vadd.s32 v1, v4;
	_ =	sdelay $0x4  }
0x102: {  	[tilespmem:s9], [sflag:$0x4] =	stream.indirect_vreg.gather [hbm4b:s1+s3], $0x80, v4, vm0, $0xb8;
	[tilespmem:$0x18800] =	vst v63  }
0x103: {  	s21 =	simm.s32 $0xD000;
	v3 =	vperm.xlane v3, v2  }
0x104: {  	[tilespmem:s21], [sflag:$0x4] =	stream.indirect_vreg.gather [hbm4b:s5+s3], $0x80, v4, vm0, $0xb8;
	[tilespmem:$0x18800] =	vst v63  }
0x105: {  	s2 =	simm.s32 $0xD800;
	v3 =	vadd.s32 v1, v3  }
0x106: {  	[tilespmem:s2], [sflag:$0x4] =	stream.indirect_vreg.gather [hbm4b:s6+s3], $0x80, v4, vm0, $0xb8;
	[tilespmem:$0x18800] =	vst v63  }
0x107: {  	s11 =	simm.s32 $0xE000  }
0x108: {  	[tilespmem:s11], [sflag:$0x4] =	stream.indirect_vreg.gather [hbm4b:s7+s3], $0x80, v4, vm0, $0xb8;
	[tilespmem:$0x18800] =	vst v63  }
0x109: {  	s21 =	simm.s32 $0xE800  }
0x10a: {  	[tilespmem:s21], [sflag:$0x4] =	stream.indirect_vreg.gather [hbm4b:s1+s3], $0x80, v3, vm0, $0xb8;
	[tilespmem:$0x18800] =	vst v63  }
0x10b: {  	s2 =	simm.s32 $0xF000  }
0x10c: {  	[tilespmem:s2], [sflag:$0x4] =	stream.indirect_vreg.gather [hbm4b:s5+s3], $0x80, v3, vm0, $0xb8;
	[tilespmem:$0x18800] =	vst v63  }
0x10d: {  	s11 =	simm.s32 $0xF800  }
0x10e: {  	[tilespmem:s11], [sflag:$0x4] =	stream.indirect_vreg.gather [hbm4b:s6+s3], $0x80, v3, vm0, $0xb8;
	[tilespmem:$0x18800] =	vst v63  }
0x10f: {  	s0 =	simm.s32 $0x5;
	s21 =	simm.s32 $0x10000  }
0x110: {  	[tilespmem:s21], [sflag:$0x4] =	stream.indirect_vreg.gather [hbm4b:s7+s3], $0x80, v3, vm0, $0xb8;
	[tilespmem:$0x18800] =	vst v63  }
0x111: {  	_ =	swait.ge [sflag:s0], $0x4000  }
0x112: {  	[sflag:s0] =	ssyncset.done $0x0  }
0x113: {  	s21 =	simm.s32 $0x10800;
	s2 =	rddreg [dreg:$0x8];
	[sflag:s0] =	ssyncadd.s32 $0xFFFFC000  }
0x114: {  	[hbm4b:s2+s3] =	stream.linear.scatter [tilespmem:s21], [sflag:$0xB], $0x4000, $0x38;
	[tilespmem:$0x18800] =	vst v63  }
0x115: {  	s2 =	simm.s32 $0xB  }
0x116: {  	_ =	swait.ge [sflag:s2], $0x4000  }
0x117: {  	[sflag:s2] =	ssyncset.done $0x0  }
0x118: {  	[sflag:s2] =	ssyncadd.s32 $0xFFFFC000  }
0x119: {  	v3 =	vld [tilespmem:$0x500];
	_ =	sdelay $0x4  }
0x11a: {  	v58 =	vshll.u32 v3, $0x3  }
0x11b: {  	v3 =	vand.u32 $0x7, v3;
	v4 =	vand.u32 $0xFFFFFFC0, v58  }
0x11c: {  	v3 =	vor.u32 v3, v4  }
0x11d: {  	v4 =	vperm.xlane v3, v0;
	_ =	sdelay $0x1  }
0x11e: {  	v4 =	vadd.s32 v1, v4;
	_ =	sdelay $0x4  }
0x11f: {  	[tilespmem:s21], [sflag:$0x5] =	stream.indirect_vreg.gather [hbm4b:s1+s3], $0x80, v4, vm0, $0xb8;
	[tilespmem:$0x18800] =	vst v63  }
0x120: {  	v3 =	vperm.xlane v3, v2  }
0x121: {  	[tilespmem:s20], [sflag:$0x5] =	stream.indirect_vreg.gather [hbm4b:s5+s3], $0x80, v4, vm0, $0xb8;
	[tilespmem:$0x18800] =	vst v63  }
0x122: {  	v3 =	vadd.s32 v1, v3  }
0x123: {  	[tilespmem:s15], [sflag:$0x5] =	stream.indirect_vreg.gather [hbm4b:s6+s3], $0x80, v4, vm0, $0xb8;
	[tilespmem:$0x18800] =	vst v63  }
0x124: {  	_ = 	snop  }
0x125: {  	[tilespmem:s14], [sflag:$0x5] =	stream.indirect_vreg.gather [hbm4b:s7+s3], $0x80, v4, vm0, $0xb8;
	[tilespmem:$0x18800] =	vst v63  }
0x126: {  	_ = 	snop  }
0x127: {  	[tilespmem:s4], [sflag:$0x5] =	stream.indirect_vreg.gather [hbm4b:s1+s3], $0x80, v3, vm0, $0xb8;
	[tilespmem:$0x18800] =	vst v63  }
0x128: {  	_ = 	snop  }
0x129: {  	[tilespmem:s10], [sflag:$0x5] =	stream.indirect_vreg.gather [hbm4b:s5+s3], $0x80, v3, vm0, $0xb8;
	[tilespmem:$0x18800] =	vst v63  }
0x12a: {  	_ = 	snop  }
0x12b: {  	[tilespmem:s12], [sflag:$0x5] =	stream.indirect_vreg.gather [hbm4b:s6+s3], $0x80, v3, vm0, $0xb8;
	[tilespmem:$0x18800] =	vst v63  }
0x12c: {  	s4 =	simm.s32 $0x6  }
0x12d: {  	[tilespmem:s13], [sflag:$0x5] =	stream.indirect_vreg.gather [hbm4b:s7+s3], $0x80, v3, vm0, $0xb8;
	[tilespmem:$0x18800] =	vst v63  }
0x12e: {  	_ =	swait.ge [sflag:s4], $0x4000  }
0x12f: {  	[sflag:s4] =	ssyncset.done $0x0  }
0x130: {  	s12 =	simm.s32 $0x14800;
	s10 =	rddreg [dreg:$0x9];
	[sflag:s4] =	ssyncadd.s32 $0xFFFFC000  }
0x131: {  	[hbm4b:s10+s3] =	stream.linear.scatter [tilespmem:s12], [sflag:$0xC], $0x4000, $0x38;
	[tilespmem:$0x18800] =	vst v63  }
0x132: {  	s10 =	simm.s32 $0xC  }
0x133: {  	_ =	swait.ge [sflag:s10], $0x4000  }
0x134: {  	[sflag:s10] =	ssyncset.done $0x0  }
0x135: {  	[sflag:s10] =	ssyncadd.s32 $0xFFFFC000  }
0x136: {  	v3 =	vld [tilespmem:$0x580];
	_ =	sdelay $0x4  }
0x137: {  	v59 =	vshll.u32 v3, $0x3  }
0x138: {  	v3 =	vand.u32 $0x7, v3;
	v4 =	vand.u32 $0xFFFFFFC0, v59  }
0x139: {  	v3 =	vor.u32 v3, v4  }
0x13a: {  	v4 =	vperm.xlane v3, v0;
	_ =	sdelay $0x1  }
0x13b: {  	v4 =	vadd.s32 v1, v4;
	_ =	sdelay $0x4  }
0x13c: {  	[tilespmem:s12], [sflag:$0x6] =	stream.indirect_vreg.gather [hbm4b:s1+s3], $0x80, v4, vm0, $0xb8;
	[tilespmem:$0x18800] =	vst v63  }
0x13d: {  	s11 =	simm.s32 $0x15000;
	v3 =	vperm.xlane v3, v2  }
0x13e: {  	[tilespmem:s11], [sflag:$0x6] =	stream.indirect_vreg.gather [hbm4b:s5+s3], $0x80, v4, vm0, $0xb8;
	[tilespmem:$0x18800] =	vst v63  }
0x13f: {  	v3 =	vadd.s32 v1, v3;
	s11 =	simm.s32 $0x15800  }
0x140: {  	[tilespmem:s11], [sflag:$0x6] =	stream.indirect_vreg.gather [hbm4b:s6+s3], $0x80, v4, vm0, $0xb8;
	[tilespmem:$0x18800] =	vst v63  }
0x141: {  	s11 =	simm.s32 $0x16000  }
0x142: {  	[tilespmem:s11], [sflag:$0x6] =	stream.indirect_vreg.gather [hbm4b:s7+s3], $0x80, v4, vm0, $0xb8;
	[tilespmem:$0x18800] =	vst v63  }
0x143: {  	_ = 	snop  }
0x144: {  	[tilespmem:s17], [sflag:$0x6] =	stream.indirect_vreg.gather [hbm4b:s1+s3], $0x80, v3, vm0, $0xb8;
	[tilespmem:$0x18800] =	vst v63  }
0x145: {  	_ = 	snop  }
0x146: {  	[tilespmem:s19], [sflag:$0x6] =	stream.indirect_vreg.gather [hbm4b:s5+s3], $0x80, v3, vm0, $0xb8;
	[tilespmem:$0x18800] =	vst v63  }
0x147: {  	s11 =	simm.s32 $0x17800  }
0x148: {  	[tilespmem:s11], [sflag:$0x6] =	stream.indirect_vreg.gather [hbm4b:s6+s3], $0x80, v3, vm0, $0xb8;
	[tilespmem:$0x18800] =	vst v63  }
0x149: {  	s11 =	simm.s32 $0x18000  }
0x14a: {  	[tilespmem:s11], [sflag:$0x6] =	stream.indirect_vreg.gather [hbm4b:s7+s3], $0x80, v3, vm0, $0xb8;
	[tilespmem:$0x18800] =	vst v63  }
0x14b: {  	_ =	swait.ge [sflag:s16], $0x4000  }
0x14c: {  	[sflag:s16] =	ssyncset.done $0x0  }
0x14d: {  	s11 =	rddreg [dreg:$0xa];
	[sflag:s16] =	ssyncadd.s32 $0xFFFFC000  }
0x14e: {  	[hbm4b:s11+s3] =	stream.linear.scatter [tilespmem:s18], [sflag:$0x7], $0x4000, $0x38;
	[tilespmem:$0x18800] =	vst v63  }
0x14f: {  	_ =	swait.ge [sflag:s22], $0x4000  }
0x150: {  	[sflag:s22] =	ssyncset.done $0x0  }
0x151: {  	[sflag:s22] =	ssyncadd.s32 $0xFFFFC000  }
0x152: {  	v3 =	vld [tilespmem:$0x600];
	_ =	sdelay $0x4  }
0x153: {  	v60 =	vshll.u32 v3, $0x3  }
0x154: {  	v3 =	vand.u32 $0x7, v3;
	v4 =	vand.u32 $0xFFFFFFC0, v60  }
0x155: {  	v3 =	vor.u32 v3, v4  }
0x156: {  	v4 =	vperm.xlane v3, v0;
	_ =	sdelay $0x1  }
0x157: {  	v4 =	vadd.s32 v1, v4;
	_ =	sdelay $0x4  }
0x158: {  	[tilespmem:s18], [sflag:$0x1] =	stream.indirect_vreg.gather [hbm4b:s1+s3], $0x80, v4, vm0, $0xb8;
	[tilespmem:$0x18800] =	vst v63  }
0x159: {  	s11 =	simm.s32 $0x1000;
	v3 =	vperm.xlane v3, v2  }
0x15a: {  	[tilespmem:s11], [sflag:$0x1] =	stream.indirect_vreg.gather [hbm4b:s5+s3], $0x80, v4, vm0, $0xb8;
	[tilespmem:$0x18800] =	vst v63  }
0x15b: {  	v3 =	vadd.s32 v1, v3;
	s11 =	simm.s32 $0x1800  }
0x15c: {  	[tilespmem:s11], [sflag:$0x1] =	stream.indirect_vreg.gather [hbm4b:s6+s3], $0x80, v4, vm0, $0xb8;
	[tilespmem:$0x18800] =	vst v63  }
0x15d: {  	s11 =	simm.s32 $0x2000  }
0x15e: {  	[tilespmem:s11], [sflag:$0x1] =	stream.indirect_vreg.gather [hbm4b:s7+s3], $0x80, v4, vm0, $0xb8;
	[tilespmem:$0x18800] =	vst v63  }
0x15f: {  	s11 =	simm.s32 $0x2800  }
0x160: {  	[tilespmem:s11], [sflag:$0x1] =	stream.indirect_vreg.gather [hbm4b:s1+s3], $0x80, v3, vm0, $0xb8;
	[tilespmem:$0x18800] =	vst v63  }
0x161: {  	s11 =	simm.s32 $0x3000  }
0x162: {  	[tilespmem:s11], [sflag:$0x1] =	stream.indirect_vreg.gather [hbm4b:s5+s3], $0x80, v3, vm0, $0xb8;
	[tilespmem:$0x18800] =	vst v63  }
0x163: {  	s11 =	simm.s32 $0x3800  }
0x164: {  	[tilespmem:s11], [sflag:$0x1] =	stream.indirect_vreg.gather [hbm4b:s6+s3], $0x80, v3, vm0, $0xb8;
	[tilespmem:$0x18800] =	vst v63  }
0x165: {  	s11 =	simm.s32 $0x4000  }
0x166: {  	[tilespmem:s11], [sflag:$0x1] =	stream.indirect_vreg.gather [hbm4b:s7+s3], $0x80, v3, vm0, $0xb8;
	[tilespmem:$0x18800] =	vst v63  }
0x167: {  	_ =	swait.ge [sflag:s23], $0x4000  }
0x168: {  	[sflag:s23] =	ssyncset.done $0x0  }
0x169: {  	s11 =	rddreg [dreg:$0xb];
	[sflag:s23] =	ssyncadd.s32 $0xFFFFC000  }
0x16a: {  	[hbm4b:s11+s3] =	stream.linear.scatter [tilespmem:s26], [sflag:$0x8], $0x4000, $0x38;
	[tilespmem:$0x18800] =	vst v63  }
0x16b: {  	_ =	swait.ge [sflag:s24], $0x4000  }
0x16c: {  	[sflag:s24] =	ssyncset.done $0x0  }
0x16d: {  	[sflag:s24] =	ssyncadd.s32 $0xFFFFC000  }
0x16e: {  	v3 =	vld [tilespmem:$0x680];
	_ =	sdelay $0x4  }
0x16f: {  	v61 =	vshll.u32 v3, $0x3  }
0x170: {  	v3 =	vand.u32 $0x7, v3;
	v4 =	vand.u32 $0xFFFFFFC0, v61  }
0x171: {  	v3 =	vor.u32 v3, v4  }
0x172: {  	v4 =	vperm.xlane v3, v0;
	_ =	sdelay $0x1  }
0x173: {  	v4 =	vadd.s32 v1, v4;
	_ =	sdelay $0x4  }
0x174: {  	[tilespmem:s26], [sflag:$0x2] =	stream.indirect_vreg.gather [hbm4b:s1+s3], $0x80, v4, vm0, $0xb8;
	[tilespmem:$0x18800] =	vst v63  }
0x175: {  	s11 =	simm.s32 $0x5000;
	v3 =	vperm.xlane v3, v2  }
0x176: {  	[tilespmem:s11], [sflag:$0x2] =	stream.indirect_vreg.gather [hbm4b:s5+s3], $0x80, v4, vm0, $0xb8;
	[tilespmem:$0x18800] =	vst v63  }
0x177: {  	v3 =	vadd.s32 v1, v3;
	s11 =	simm.s32 $0x5800  }
0x178: {  	[tilespmem:s11], [sflag:$0x2] =	stream.indirect_vreg.gather [hbm4b:s6+s3], $0x80, v4, vm0, $0xb8;
	[tilespmem:$0x18800] =	vst v63  }
0x179: {  	s11 =	simm.s32 $0x6000  }
0x17a: {  	[tilespmem:s11], [sflag:$0x2] =	stream.indirect_vreg.gather [hbm4b:s7+s3], $0x80, v4, vm0, $0xb8;
	[tilespmem:$0x18800] =	vst v63  }
0x17b: {  	s11 =	simm.s32 $0x6800  }
0x17c: {  	[tilespmem:s11], [sflag:$0x2] =	stream.indirect_vreg.gather [hbm4b:s1+s3], $0x80, v3, vm0, $0xb8;
	[tilespmem:$0x18800] =	vst v63  }
0x17d: {  	s11 =	simm.s32 $0x7000  }
0x17e: {  	[tilespmem:s11], [sflag:$0x2] =	stream.indirect_vreg.gather [hbm4b:s5+s3], $0x80, v3, vm0, $0xb8;
	[tilespmem:$0x18800] =	vst v63  }
0x17f: {  	s11 =	simm.s32 $0x7800  }
0x180: {  	[tilespmem:s11], [sflag:$0x2] =	stream.indirect_vreg.gather [hbm4b:s6+s3], $0x80, v3, vm0, $0xb8;
	[tilespmem:$0x18800] =	vst v63  }
0x181: {  	s11 =	simm.s32 $0x8000  }
0x182: {  	[tilespmem:s11], [sflag:$0x2] =	stream.indirect_vreg.gather [hbm4b:s7+s3], $0x80, v3, vm0, $0xb8;
	[tilespmem:$0x18800] =	vst v63  }
0x183: {  	_ =	swait.ge [sflag:s25], $0x4000  }
0x184: {  	[sflag:s25] =	ssyncset.done $0x0  }
0x185: {  	s11 =	rddreg [dreg:$0xc];
	[sflag:s25] =	ssyncadd.s32 $0xFFFFC000  }
0x186: {  	[hbm4b:s11+s3] =	stream.linear.scatter [tilespmem:s31], [sflag:$0x9], $0x4000, $0x38;
	[tilespmem:$0x18800] =	vst v63  }
0x187: {  	_ =	swait.ge [sflag:s28], $0x4000  }
0x188: {  	[sflag:s28] =	ssyncset.done $0x0  }
0x189: {  	[sflag:s28] =	ssyncadd.s32 $0xFFFFC000  }
0x18a: {  	v3 =	vld [tilespmem:$0x700];
	_ =	sdelay $0x4  }
0x18b: {  	v62 =	vshll.u32 v3, $0x3  }
0x18c: {  	v3 =	vand.u32 $0x7, v3;
	v4 =	vand.u32 $0xFFFFFFC0, v62  }
0x18d: {  	v3 =	vor.u32 v3, v4  }
0x18e: {  	v4 =	vperm.xlane v3, v0;
	_ =	sdelay $0x1  }
0x18f: {  	v4 =	vadd.s32 v1, v4;
	_ =	sdelay $0x4  }
0x190: {  	[tilespmem:s31], [sflag:$0x3] =	stream.indirect_vreg.gather [hbm4b:s1+s3], $0x80, v4, vm0, $0xb8;
	[tilespmem:$0x18800] =	vst v63  }
0x191: {  	s11 =	simm.s32 $0x9000;
	v3 =	vperm.xlane v3, v2  }
0x192: {  	[tilespmem:s11], [sflag:$0x3] =	stream.indirect_vreg.gather [hbm4b:s5+s3], $0x80, v4, vm0, $0xb8;
	[tilespmem:$0x18800] =	vst v63  }
0x193: {  	v3 =	vadd.s32 v1, v3;
	s11 =	simm.s32 $0x9800  }
0x194: {  	[tilespmem:s11], [sflag:$0x3] =	stream.indirect_vreg.gather [hbm4b:s6+s3], $0x80, v4, vm0, $0xb8;
	[tilespmem:$0x18800] =	vst v63  }
0x195: {  	s11 =	simm.s32 $0xA000  }
0x196: {  	[tilespmem:s11], [sflag:$0x3] =	stream.indirect_vreg.gather [hbm4b:s7+s3], $0x80, v4, vm0, $0xb8;
	[tilespmem:$0x18800] =	vst v63  }
0x197: {  	s11 =	simm.s32 $0xA800  }
0x198: {  	[tilespmem:s11], [sflag:$0x3] =	stream.indirect_vreg.gather [hbm4b:s1+s3], $0x80, v3, vm0, $0xb8;
	[tilespmem:$0x18800] =	vst v63  }
0x199: {  	s11 =	simm.s32 $0xB000  }
0x19a: {  	[tilespmem:s11], [sflag:$0x3] =	stream.indirect_vreg.gather [hbm4b:s5+s3], $0x80, v3, vm0, $0xb8;
	[tilespmem:$0x18800] =	vst v63  }
0x19b: {  	s11 =	simm.s32 $0xB800  }
0x19c: {  	[tilespmem:s11], [sflag:$0x3] =	stream.indirect_vreg.gather [hbm4b:s6+s3], $0x80, v3, vm0, $0xb8;
	[tilespmem:$0x18800] =	vst v63  }
0x19d: {  	s11 =	simm.s32 $0xC000  }
0x19e: {  	[tilespmem:s11], [sflag:$0x3] =	stream.indirect_vreg.gather [hbm4b:s7+s3], $0x80, v3, vm0, $0xb8;
	[tilespmem:$0x18800] =	vst v63  }
0x19f: {  	_ =	swait.ge [sflag:s29], $0x4000  }
0x1a0: {  	[sflag:s29] =	ssyncset.done $0x0  }
0x1a1: {  	s11 =	rddreg [dreg:$0xd];
	[sflag:s29] =	ssyncadd.s32 $0xFFFFC000  }
0x1a2: {  	[hbm4b:s11+s3] =	stream.linear.scatter [tilespmem:s9], [sflag:$0xA], $0x4000, $0x38;
	[tilespmem:$0x18800] =	vst v63  }
0x1a3: {  	_ =	swait.ge [sflag:s30], $0x4000  }
0x1a4: {  	[sflag:s30] =	ssyncset.done $0x0  }
0x1a5: {  	[sflag:s30] =	ssyncadd.s32 $0xFFFFC000  }
0x1a6: {  	v3 =	vld [tilespmem:$0x780];
	_ =	sdelay $0x4  }
0x1a7: {  	v63 =	vshll.u32 v3, $0x3  }
0x1a8: {  	v3 =	vand.u32 $0x7, v3;
	v4 =	vand.u32 $0xFFFFFFC0, v63  }
0x1a9: {  	v3 =	vor.u32 v3, v4  }
0x1aa: {  	v4 =	vperm.xlane v3, v0;
	_ =	sdelay $0x1  }
0x1ab: {  	v4 =	vadd.s32 v1, v4;
	_ =	sdelay $0x4  }
0x1ac: {  	[tilespmem:s9], [sflag:$0x4] =	stream.indirect_vreg.gather [hbm4b:s1+s3], $0x80, v4, vm0, $0xb8;
	[tilespmem:$0x18800] =	vst v63  }
0x1ad: {  	s11 =	simm.s32 $0xD000;
	v3 =	vperm.xlane v3, v2  }
0x1ae: {  	[tilespmem:s11], [sflag:$0x4] =	stream.indirect_vreg.gather [hbm4b:s5+s3], $0x80, v4, vm0, $0xb8;
	[tilespmem:$0x18800] =	vst v63  }
0x1af: {  	v3 =	vadd.s32 v1, v3;
	s11 =	simm.s32 $0xD800  }
0x1b0: {  	[tilespmem:s11], [sflag:$0x4] =	stream.indirect_vreg.gather [hbm4b:s6+s3], $0x80, v4, vm0, $0xb8;
	[tilespmem:$0x18800] =	vst v63  }
0x1b1: {  	s11 =	simm.s32 $0xE000  }
0x1b2: {  	[tilespmem:s11], [sflag:$0x4] =	stream.indirect_vreg.gather [hbm4b:s7+s3], $0x80, v4, vm0, $0xb8;
	[tilespmem:$0x18800] =	vst v63  }
0x1b3: {  	s11 =	simm.s32 $0xE800  }
0x1b4: {  	[tilespmem:s11], [sflag:$0x4] =	stream.indirect_vreg.gather [hbm4b:s1+s3], $0x80, v3, vm0, $0xb8;
	[tilespmem:$0x18800] =	vst v63  }
0x1b5: {  	s11 =	simm.s32 $0xF000  }
0x1b6: {  	[tilespmem:s11], [sflag:$0x4] =	stream.indirect_vreg.gather [hbm4b:s5+s3], $0x80, v3, vm0, $0xb8;
	[tilespmem:$0x18800] =	vst v63  }
0x1b7: {  	s11 =	simm.s32 $0xF800  }
0x1b8: {  	[tilespmem:s11], [sflag:$0x4] =	stream.indirect_vreg.gather [hbm4b:s6+s3], $0x80, v3, vm0, $0xb8;
	[tilespmem:$0x18800] =	vst v63  }
0x1b9: {  	s11 =	simm.s32 $0x10000  }
0x1ba: {  	[tilespmem:s11], [sflag:$0x4] =	stream.indirect_vreg.gather [hbm4b:s7+s3], $0x80, v3, vm0, $0xb8;
	[tilespmem:$0x18800] =	vst v63  }
0x1bb: {  	_ =	swait.ge [sflag:s0], $0x4000  }
0x1bc: {  	[sflag:s0] =	ssyncset.done $0x0  }
0x1bd: {  	s21 =	simm.s32 $0x10800;
	s11 =	rddreg [dreg:$0xe];
	[sflag:s0] =	ssyncadd.s32 $0xFFFFC000  }
0x1be: {  	[hbm4b:s11+s3] =	stream.linear.scatter [tilespmem:s21], [sflag:$0xB], $0x4000, $0x38;
	[tilespmem:$0x18800] =	vst v63  }
0x1bf: {  	_ =	swait.ge [sflag:s4], $0x4000  }
0x1c0: {  	[sflag:s4] =	ssyncset.done $0x0  }
0x1c1: {  	s12 =	simm.s32 $0x14800;
	s21 =	rddreg [dreg:$0xf];
	[sflag:s4] =	ssyncadd.s32 $0xFFFFC000  }
0x1c2: {  	[hbm4b:s21+s3] =	stream.linear.scatter [tilespmem:s12], [sflag:$0xC], $0x4000, $0x38;
	[tilespmem:$0x18800] =	vst v63  }
0x1c3: {  	_ =	swait.ge [sflag:s16], $0x4000  }
0x1c4: {  	[sflag:s16] =	ssyncset.done $0x0  }
0x1c5: {  	s0 =	rddreg [dreg:$0x10];
	[sflag:s16] =	ssyncadd.s32 $0xFFFFC000  }
0x1c6: {  	[hbm4b:s0+s3] =	stream.linear.scatter [tilespmem:s18], [sflag:$0x7], $0x4000, $0x38;
	[tilespmem:$0x18800] =	vst v63  }
0x1c7: {  	_ =	swait.ge [sflag:s23], $0x4000  }
0x1c8: {  	[sflag:s23] =	ssyncset.done $0x0  }
0x1c9: {  	s4 =	rddreg [dreg:$0x11];
	[sflag:s23] =	ssyncadd.s32 $0xFFFFC000  }
0x1ca: {  	[hbm4b:s4+s3] =	stream.linear.scatter [tilespmem:s26], [sflag:$0x8], $0x4000, $0x38;
	[tilespmem:$0x18800] =	vst v63  }
0x1cb: {  	_ =	swait.ge [sflag:s25], $0x4000  }
0x1cc: {  	[sflag:s25] =	ssyncset.done $0x0  }
0x1cd: {  	s12 =	rddreg [dreg:$0x12];
	[sflag:s25] =	ssyncadd.s32 $0xFFFFC000  }
0x1ce: {  	[hbm4b:s12+s3] =	stream.linear.scatter [tilespmem:s31], [sflag:$0x9], $0x4000, $0x38;
	[tilespmem:$0x18800] =	vst v63  }
0x1cf: {  	_ =	swait.ge [sflag:s29], $0x4000  }
0x1d0: {  	[sflag:s29] =	ssyncset.done $0x0  }
0x1d1: {  	s21 =	rddreg [dreg:$0x13];
	[sflag:s29] =	ssyncadd.s32 $0xFFFFC000  }
0x1d2: {  	[hbm4b:s21+s3] =	stream.linear.scatter [tilespmem:s9], [sflag:$0xA], $0x4000, $0x38;
	[tilespmem:$0x18800] =	vst v63  }
0x1d3: {  	_ =	swait.ge [sflag:s22], $0x4000  }
0x1d4: {  	[sflag:s22] =	ssyncset.done $0x0  }
0x1d5: {  	[sflag:s22] =	ssyncadd.s32 $0xFFFFC000  }
0x1d6: {  	_ =	swait.ge [sflag:s24], $0x4000  }
0x1d7: {  	[sflag:s24] =	ssyncset.done $0x0  }
0x1d8: {  	[sflag:s24] =	ssyncadd.s32 $0xFFFFC000  }
0x1d9: {  	_ =	swait.ge [sflag:s28], $0x4000  }
0x1da: {  	[sflag:s28] =	ssyncset.done $0x0  }
0x1db: {  	[sflag:s28] =	ssyncadd.s32 $0xFFFFC000  }
0x1dc: {  	_ =	swait.ge [sflag:s30], $0x4000  }
0x1dd: {  	[sflag:s30] =	ssyncset.done $0x0  }
0x1de: {  	[sflag:s30] =	ssyncadd.s32 $0xFFFFC000  }
0x1df: {  	p0 =	sne.s32 s8, $0x1;
	_ =	swait.ge [sflag:s2], $0x4000  }
.Ltmp0:
0x1e0: {  	[sflag:s2] =	ssyncset.done $0x0;
	(pc) =	sbr.rel @p0 .LBB2_1-.Ltmp0, $4  }
0x1e1: {  	[sflag:s2] =	ssyncadd.s32 $0xFFFFC000  }
0x1e2: {  	_ =	swait.ge [sflag:s10], $0x4000  }
0x1e3: {  	[sflag:s10] =	ssyncset.done $0x0  }
0x1e4: {  	s8 =	sadd.s32 $0xFFFFFFFF, s8;
	[sflag:s10] =	ssyncadd.s32 $0xFFFFC000  }
0x1e5: {  	_ =	sfence.sel $0x180000  }
0x1e6: {  	[bflag:$0x0] =	sbarrier.arrive $0xFFFF  }
0x1e7: {  	_ =	strace $0x90000047  }
0x1e8: {  	s0 =	stileid.u32;
	[bflag:$0x2] =	sbarrier.arrive $0xFFFF  }
0x1e9: {  	p0 =	sne.s32 s0, $0x0;
	s0 =	rddreg [dreg:$0x3]  }
0x1ea: {  	s0 =	sadd.s32 @!p0 $0x100000, s0  }
0x1eb: {  	[sflag:s0] =	ssyncadd.tile.s32 @!p0 $0x1;
	_ =	shalt  }
.Lfunc_end2:
_tile_overlayer_lowered:
.L_overlay_start_2:
0x1ec: {  	(tag) =	ssettag $0x2  }
0x1ed: {  	s0 =	rddreg [dreg:$0x0];
	s2 =	stileid.u32  }
0x1ee: {  	s1 =	rddreg [dreg:$0x1];
	p0 =	sne.s32 s2, $0x0  }
0x1ef: {  	s3 =	rddreg [dreg:$0x2];
	[bflag:$0x3] =	sbarrier.arrive $0xFFFF;
	s2 =	simm.s32 @!p0 $0x1C0D  }
0x1f0: {  	[timem:s3], [sflag:s2] =	dma.local @!p0 [hbm:s0], s1  }
0x1f1: {  	s0 =	simm.s32 @!p0 $0xD  }
0x1f2: {  	_ =	swait.ge @!p0 [sflag:s0], s1  }
0x1f3: {  	s1 =	ssub.s32 @!p0 $0x0, s1;
	[sflag:s0] =	ssyncset.done @!p0 $0x0  }
0x1f4: {  	[sflag:s0] =	ssyncadd.s32 @!p0 s1  }
0x1f5: {  	[bflag:$0x3] =	sbarrier.arrive $0xFFFF  }
0x1f6: {  	_ =	shalt  }

</sc_bundles>
